<compile_context>
chip_gen: v7x
topology: tpu7x:2x2x1
jax: 0.10.2.dev20260603
libtpu: 0.0.44.dev20260713+nightly
codegen_flags: <defaults>
</compile_context>

<pallas_src>
import functools

import jax
import jax.numpy as jnp
from jax import lax
from jax.experimental import pallas as pl
from jax.experimental.pallas import tpu as pltpu
from jax.experimental.pallas import tpu_sc as plsc

_SC_PARAMS = pltpu.CompilerParams(needs_layout_passes=False)


def _make_dedup(D0, K):
    info = plsc.get_sparse_core_info()
    NC, NS, L = info.num_cores, info.num_subcores, info.num_lanes
    NW = NC * NS
    CPW = K // NW
    PIECE = 2048
    NPIECE = K // PIECE
    VPP = PIECE // L
    POS_BITS = max(K - 1, 1).bit_length()
    POS_MASK = (1 << POS_BITS) - 1

    mesh = plsc.VectorSubcoreMesh(core_axis_name="c", subcore_axis_name="s")

    @functools.partial(
        pl.kernel,
        mesh=mesh,
        out_type=jax.ShapeDtypeStruct((K,), jnp.int32),
        compiler_params=_SC_PARAMS,
        scratch_types=[
            pltpu.VMEM((PIECE,), jnp.int32),
            pltpu.VMEM((D0,), jnp.int32),
            pltpu.VMEM((L,), jnp.int32),
            pltpu.VMEM((CPW,), jnp.int32),
            pltpu.VMEM((CPW,), jnp.int32),
        ],
    )
    def dedup(idx_hbm, jsrc_hbm, piece_v, table, shift_v, own_v, jbuf):
        cid = lax.axis_index("c")
        sid = lax.axis_index("s")
        wid = sid * NC + cid
        base = wid * CPW
        lanes = lax.iota(jnp.int32, L)
        last_lane = lanes == (L - 1)
        nxt_lane = jnp.minimum(lanes + 1, L - 1)

        def piece_body(p, _):
            pltpu.sync_copy(idx_hbm.at[pl.ds(p * PIECE, PIECE)], piece_v)

            def vreg_body(v, _):
                iv = piece_v[pl.ds(v * L, L)]
                pos = p * PIECE + v * L + lanes
                comb = (iv << POS_BITS) | pos
                ks, _ = plsc.sort_key_val(comb, comb)
                idx_s = ks >> POS_BITS
                pos_s = ks & POS_MASK
                shift_v[...] = idx_s
                nxt = plsc.load_gather(shift_v, [nxt_lane])
                keep = (idx_s != nxt) | last_lane
                plsc.store_scatter(table, [idx_s], pos_s, mask=keep)
                return 0

            lax.fori_loop(0, VPP, vreg_body, 0)
            return 0

        lax.fori_loop(0, NPIECE, piece_body, 0)

        pltpu.sync_copy(idx_hbm.at[pl.ds(base, CPW)], own_v)

        def src_body(c, _):
            iv = own_v[pl.ds(c * L, L)]
            jbuf[pl.ds(c * L, L)] = plsc.load_gather(table, [iv])
            return 0

        lax.fori_loop(0, CPW // L, src_body, 0)
        pltpu.sync_copy(jbuf, jsrc_hbm.at[pl.ds(base, CPW)])

    return dedup


def _make_transpose(K, R):
    info = plsc.get_sparse_core_info()
    NC, NS, L = info.num_cores, info.num_subcores, info.num_lanes
    NW = NC * NS
    CPW = K // NW
    TCH = 128
    NTCH = CPW // TCH
    RH = R // 2

    mesh = plsc.VectorSubcoreMesh(core_axis_name="c", subcore_axis_name="s")

    @functools.partial(
        pl.kernel,
        mesh=mesh,
        out_type=jax.ShapeDtypeStruct((K, R), jnp.float32),
        compiler_params=_SC_PARAMS,
        scratch_types=[
            pltpu.VMEM((RH, TCH), jnp.float32),
            pltpu.VMEM((TCH, R), jnp.float32),
        ],
    )
    def transpose(updt_hbm, upd_rm_hbm, tin, tout):
        cid = lax.axis_index("c")
        sid = lax.axis_index("s")
        wid = sid * NC + cid
        base = wid * CPW
        lanes = lax.iota(jnp.int32, L)

        def ch_body(ch, _):
            k0 = base + ch * TCH
            for rh in range(2):
                pltpu.sync_copy(
                    updt_hbm.at[pl.ds(rh * RH, RH), pl.ds(k0, TCH)], tin)

                def r_body(r, _):
                    rsplat = jnp.full((L,), rh * RH, jnp.int32) + r

                    def q_body(q, _):
                        vals = tin[r, pl.ds(q * L, L)]
                        plsc.store_scatter(tout, [q * L + lanes, rsplat], vals)
                        return 0

                    lax.fori_loop(0, TCH // L, q_body, 0, unroll=True)
                    return 0

                lax.fori_loop(0, RH, r_body, 0, unroll=4)
            pltpu.sync_copy(tout, upd_rm_hbm.at[pl.ds(k0, TCH)])
            return 0

        lax.fori_loop(0, NTCH, ch_body, 0)

    return transpose


def _make_scatter(D0, K, R):
    info = plsc.get_sparse_core_info()
    NC, NS, L = info.num_cores, info.num_subcores, info.num_lanes
    NW = NC * NS
    CPW = K // NW
    CHUNK = 64
    NCH = CPW // CHUNK

    mesh = plsc.VectorSubcoreMesh(core_axis_name="c", subcore_axis_name="s")

    @functools.partial(
        pl.kernel,
        mesh=mesh,
        out_type=(),
        compiler_params=_SC_PARAMS,
        scratch_types=[
            pltpu.VMEM((CPW,), jnp.int32),
            pltpu.VMEM((NCH, CHUNK), jnp.int32),
            pltpu.VMEM((NCH, CHUNK), jnp.int32),
            pltpu.VMEM((CHUNK, R), jnp.float32),
            pltpu.VMEM((CHUNK, R), jnp.float32),
            pltpu.SemaphoreType.DMA,
            pltpu.SemaphoreType.DMA,
            pltpu.SemaphoreType.DMA,
            pltpu.SemaphoreType.DMA,
        ],
    )
    def scatter(idx_hbm, jsrc_hbm, upd_hbm, out_hbm, stage_v, idx_own, jsrc,
                buf0, buf1, gsem0, gsem1, ssem0, ssem1):
        cid = lax.axis_index("c")
        sid = lax.axis_index("s")
        wid = sid * NC + cid
        base = wid * CPW

        pltpu.sync_copy(idx_hbm.at[pl.ds(base, CPW)], stage_v)

        def repack_idx(c, _):
            def repack_row(q, _):
                idx_own[c, pl.ds(q * L, L)] = stage_v[pl.ds(c * CHUNK + q * L, L)]
                return 0

            lax.fori_loop(0, CHUNK // L, repack_row, 0, unroll=True)
            return 0

        lax.fori_loop(0, NCH, repack_idx, 0)
        pltpu.sync_copy(jsrc_hbm.at[pl.ds(base, CPW)], stage_v)

        def repack_j(c, _):
            def repack_row(q, _):
                jsrc[c, pl.ds(q * L, L)] = stage_v[pl.ds(c * CHUNK + q * L, L)]
                return 0

            lax.fori_loop(0, CHUNK // L, repack_row, 0, unroll=True)
            return 0

        lax.fori_loop(0, NCH, repack_j, 0)

        bufs = (buf0, buf1)
        gsems = (gsem0, gsem1)
        ssems = (ssem0, ssem1)

        def pipe_body(cc, _):
            for b in range(2):
                c = cc * 2 + b

                @pl.when(cc > 0)
                def _():
                    pltpu.make_async_copy(
                        bufs[b], out_hbm.at[idx_own.at[0]], ssems[b]).wait()

                pltpu.async_copy(upd_hbm.at[jsrc.at[c]], bufs[b], gsems[b]).wait()
                pltpu.async_copy(bufs[b], out_hbm.at[idx_own.at[c]], ssems[b])
            return 0

        lax.fori_loop(0, NCH // 2, pipe_body, 0)
        for b in range(2):
            pltpu.make_async_copy(
                bufs[b], out_hbm.at[idx_own.at[0]], ssems[b]).wait()

    return scatter


def kernel(input, indices, update):
    D0, D1, D2 = input.shape
    K = indices.shape[0]
    R = D1 * D2
    jsrc = _make_dedup(D0, K)(indices)
    out_ref = jax.new_ref(input.reshape(D0, R))
    _make_scatter(D0, K, R)(indices, jsrc, update.reshape(K, R), out_ref)
    return jax.freeze(out_ref).reshape(D0, D1, D2)

# --- scband reference (transcript-rebuilt; emitter-appended) ---
"""Pipeline reference for scband-model-17411797418179 (READ-ONLY COPY).

The authoritative reference and input builder live on the scoring server;
editing this copy changes nothing except your own understanding.
"""

import jax, jax.numpy as jnp
import numpy as np


def setup_inputs(seed: int = 0) -> dict:
    key = jax.random.key(seed)
    k1, k2, k3 = jax.random.split(key, 3)
    D0, D1, D2, K = 100000, 8, 64, 16384
    inp = jax.random.normal(k1, (D0, D1, D2), dtype=jnp.float32)
    indices = jax.random.randint(k2, (K,), 0, D0, dtype=jnp.int32)
    update = jax.random.normal(k3, (K, D1, D2), dtype=jnp.float32)
    return {"input": inp, "indices": indices, "update": update}


def reference(input, indices, update):
    # scatter_block_update: overwrite whole [D1, D2] blocks of `input`
    # at row positions given by `indices` (flattened kernel view is
    # [D0*D1, D2] with K block writes; equivalent dense form below).
    D0, D1, D2 = input.shape
    out = input.at[indices].set(update)
    return out.reshape(D0, D1, D2)

if __name__ == "__main__":
    import jax
    _d = setup_inputs()
    print(jax.jit(kernel)(*tuple(_d.values())))

</pallas_src>

<mosaic_0001>
#map = affine_map<(d0, d1) -> (0)>
module attributes {stable_mosaic.version = 14 : i64} {
  func.func @dedup(%arg0: i32, %arg1: i32, %arg2: memref<16384xi32, #tpu.memory_space<hbm>>, %arg3: memref<16384xi32, #tpu.memory_space<hbm>>, %arg4: memref<2048xi32, #tpu.memory_space<vmem>>, %arg5: memref<100000xi32, #tpu.memory_space<vmem>>, %arg6: memref<16xi32, #tpu.memory_space<vmem>>, %arg7: memref<512xi32, #tpu.memory_space<vmem>>, %arg8: memref<512xi32, #tpu.memory_space<vmem>>) attributes {dimension_semantics = [#tpu.dimension_semantics<core_parallel>, #tpu.dimension_semantics<subcore_parallel>], iteration_bounds = array<i64: 2, 16>, scalar_prefetch = 0 : i64, scratch_operands = 5 : i64, tpu.core_type = #tpu.core_type<sc_vector_subcore>, window_params = [{transform_indices = #map}, {transform_indices = #map}]} {
    %mul3A = arith.constant 2 : i32
    %mul3A_0 = arith.muli %arg1, %mul3A : i32
    %add3A = arith.addi %mul3A_0, %arg0 : i32
    %mul3A_1 = arith.constant 512 : i32
    %mul3A_2 = arith.muli %add3A, %mul3A_1 : i32
    %iota3A = tpu.iota {dimensions = array<i32: 0>} : vector<16xi32>
    %eq3A = arith.constant 15 : i32
    %eq3A_3 = vector.broadcast %eq3A : i32 to vector<16xi32>
    %eq3A_4 = arith.cmpi eq, %iota3A, %eq3A_3 : vector<16xi32>
    %add3A_5 = arith.constant 1 : i32
    %add3A_6 = vector.broadcast %add3A_5 : i32 to vector<16xi32>
    %add3A_7 = arith.addi %iota3A, %add3A_6 : vector<16xi32>
    %min3A = arith.constant 15 : i32
    %min3A_8 = vector.broadcast %min3A : i32 to vector<16xi32>
    %min3A_9 = arith.minsi %add3A_7, %min3A_8 : vector<16xi32>
    %scan3A = arith.constant 0 : i32
    %scan3A_10 = arith.constant 0 : i32
    %scan3A_11 = arith.constant 8 : i32
    %scan3A_12 = arith.addi %scan3A_10, %scan3A_11 : i32
    %scan3A_13 = arith.constant 1 : i32
    %scan3A_14 = scf.for %scan3A_23 = %scan3A_10 to %scan3A_12 step %scan3A_13 iter_args(%scan3A_24 = %scan3A) -> (i32)  : i32 {
      %mul3A_25 = arith.constant 2048 : i32
      %mul3A_26 = arith.muli %scan3A_23, %mul3A_25 : i32
      "tpu.region"() ({
        %run_scoped3A = tpu.sem_alloc : memref<!tpu.dma_semaphore, #tpu.memory_space<semaphore_mem>>
        %dma_start3A = tpu.memref_slice %arg2[%mul3A_26] : memref<16384xi32, #tpu.memory_space<hbm>> -> memref<2048xi32, #tpu.memory_space<hbm>>
        %dma_start3A_35 = tpu.memref_slice %arg2[%mul3A_26] : memref<16384xi32, #tpu.memory_space<hbm>> -> memref<2048xi32, #tpu.memory_space<hbm>>
        tpu.enqueue_dma source(%dma_start3A_35 : memref<2048xi32, #tpu.memory_space<hbm>>) target(%arg4 : memref<2048xi32, #tpu.memory_space<vmem>>) target_semaphore(%run_scoped3A : memref<!tpu.dma_semaphore, #tpu.memory_space<semaphore_mem>>)
        %dma_wait3A = tpu.memref_slice %arg2[%mul3A_26] : memref<16384xi32, #tpu.memory_space<hbm>> -> memref<2048xi32, #tpu.memory_space<hbm>>
        %dma_wait3A_36 = tpu.memref_slice %arg2[%mul3A_26] : memref<16384xi32, #tpu.memory_space<hbm>> -> memref<2048xi32, #tpu.memory_space<hbm>>
        tpu.wait_dma2 semaphore(%run_scoped3A : memref<!tpu.dma_semaphore, #tpu.memory_space<semaphore_mem>>) src(%dma_wait3A_36 : memref<2048xi32, #tpu.memory_space<hbm>>) dst(%arg4 : memref<2048xi32, #tpu.memory_space<vmem>>)
        tpu.yield
      }) : () -> ()
      %scan3A_27 = arith.constant 0 : i32
      %scan3A_28 = arith.constant 0 : i32
      %scan3A_29 = arith.constant 128 : i32
      %scan3A_30 = arith.addi %scan3A_28, %scan3A_29 : i32
      %scan3A_31 = arith.constant 1 : i32
      %scan3A_32 = scf.for %scan3A_35 = %scan3A_28 to %scan3A_30 step %scan3A_31 iter_args(%scan3A_36 = %scan3A_27) -> (i32)  : i32 {
        %mul3A_37 = arith.constant 16 : i32
        %mul3A_38 = arith.muli %scan3A_35, %mul3A_37 : i32
        %get3A = arith.index_cast %mul3A_38 : i32 to index
        %get3A_39 = tpu.vector_load %arg4[%get3A] {strides = array<i32>} : memref<2048xi32, #tpu.memory_space<vmem>>, vector<16xi32>,
        %mul3A_40 = arith.constant 2048 : i32
        %mul3A_41 = arith.muli %scan3A_23, %mul3A_40 : i32
        %mul3A_42 = arith.constant 16 : i32
        %mul3A_43 = arith.muli %scan3A_35, %mul3A_42 : i32
        %add3A_44 = arith.addi %mul3A_41, %mul3A_43 : i32
        %add3A_45 = vector.broadcast %add3A_44 : i32 to vector<16xi32>
        %add3A_46 = arith.addi %add3A_45, %iota3A : vector<16xi32>
        %shift_left3A = arith.constant 14 : i32
        %shift_left3A_47 = vector.broadcast %shift_left3A : i32 to vector<16xi32>
        %shift_left3A_48 = arith.shli %get3A_39, %shift_left3A_47 : vector<16xi32>
        %or3A = arith.ori %shift_left3A_48, %add3A_46 : vector<16xi32>
        %masked_sort3A = arith.constant dense<true> : vector<16xi1>
        %masked_sort3A_49 = arith.constant -2147483648 : i32
        %masked_sort3A_50 = vector.broadcast %masked_sort3A_49 : i32 to vector<16xi32>
        %masked_sort3A_51 = arith.xori %or3A, %masked_sort3A_50 : vector<16xi32>
        %masked_sort3A_52, %masked_sort3A_53, %masked_sort3A_54 = tpu.sort %masked_sort3A_51, %or3A masked %masked_sort3A : (vector<16xi32>, vector<16xi32>, vector<16xi1>) -> (vector<16xi1>, vector<16xi32>, vector<16xi32>)
        %masked_sort3A_55 = arith.xori %masked_sort3A_53, %masked_sort3A_50 : vector<16xi32>
        %shift_right_arithmetic3A = arith.constant 14 : i32
        %shift_right_arithmetic3A_56 = vector.broadcast %shift_right_arithmetic3A : i32 to vector<16xi32>
        %shift_right_arithmetic3A_57 = arith.shrsi %masked_sort3A_55, %shift_right_arithmetic3A_56 : vector<16xi32>
        %and3A = arith.constant 16383 : i32
        %and3A_58 = vector.broadcast %and3A : i32 to vector<16xi32>
        %and3A_59 = arith.andi %masked_sort3A_55, %and3A_58 : vector<16xi32>
        %swap3A = arith.constant 0 : index
        %swap3A_60 = tpu.vector_load %arg6[%swap3A] {strides = array<i32>} : memref<16xi32, #tpu.memory_space<vmem>>, vector<16xi32>,
        tpu.vector_store %arg6[%swap3A], %shift_right_arithmetic3A_57 {strides = array<i32>} : memref<16xi32, #tpu.memory_space<vmem>>, vector<16xi32>,
        %gather3A = tpu.vector_load_idx %arg6[%min3A_9] : memref<16xi32, #tpu.memory_space<vmem>>[vector<16xi32>], vector<16xi32>,
        %ne3A = arith.cmpi ne, %shift_right_arithmetic3A_57, %gather3A : vector<16xi32>
        %or3A_61 = arith.ori %ne3A, %eq3A_4 : vector<16xi1>
        tpu.vector_store_idx %arg5[%shift_right_arithmetic3A_57], %and3A_59 masked %or3A_61 : memref<100000xi32, #tpu.memory_space<vmem>>[vector<16xi32>], vector<16xi32>, vector<16xi1>
        %scan3A_62 = arith.constant 0 : i32
        scf.yield %scan3A_62 : i32
      }
      %scan3A_33 = arith.constant 128 : i32
      %scan3A_34 = arith.constant 0 : i32
      scf.yield %scan3A_34 : i32
    }
    %scan3A_15 = arith.constant 8 : i32
    "tpu.region"() ({
      %run_scoped3A = tpu.sem_alloc : memref<!tpu.dma_semaphore, #tpu.memory_space<semaphore_mem>>
      %dma_start3A = tpu.memref_slice %arg2[%mul3A_2] : memref<16384xi32, #tpu.memory_space<hbm>> -> memref<512xi32, #tpu.memory_space<hbm>>
      %dma_start3A_23 = tpu.memref_slice %arg2[%mul3A_2] : memref<16384xi32, #tpu.memory_space<hbm>> -> memref<512xi32, #tpu.memory_space<hbm>>
      tpu.enqueue_dma source(%dma_start3A_23 : memref<512xi32, #tpu.memory_space<hbm>>) target(%arg7 : memref<512xi32, #tpu.memory_space<vmem>>) target_semaphore(%run_scoped3A : memref<!tpu.dma_semaphore, #tpu.memory_space<semaphore_mem>>)
      %dma_wait3A = tpu.memref_slice %arg2[%mul3A_2] : memref<16384xi32, #tpu.memory_space<hbm>> -> memref<512xi32, #tpu.memory_space<hbm>>
      %dma_wait3A_24 = tpu.memref_slice %arg2[%mul3A_2] : memref<16384xi32, #tpu.memory_space<hbm>> -> memref<512xi32, #tpu.memory_space<hbm>>
      tpu.wait_dma2 semaphore(%run_scoped3A : memref<!tpu.dma_semaphore, #tpu.memory_space<semaphore_mem>>) src(%dma_wait3A_24 : memref<512xi32, #tpu.memory_space<hbm>>) dst(%arg7 : memref<512xi32, #tpu.memory_space<vmem>>)
      tpu.yield
    }) : () -> ()
    %scan3A_16 = arith.constant 0 : i32
    %scan3A_17 = arith.constant 0 : i32
    %scan3A_18 = arith.constant 32 : i32
    %scan3A_19 = arith.addi %scan3A_17, %scan3A_18 : i32
    %scan3A_20 = arith.constant 1 : i32
    %scan3A_21 = scf.for %scan3A_23 = %scan3A_17 to %scan3A_19 step %scan3A_20 iter_args(%scan3A_24 = %scan3A_16) -> (i32)  : i32 {
      %mul3A_25 = arith.constant 16 : i32
      %mul3A_26 = arith.muli %scan3A_23, %mul3A_25 : i32
      %get3A = arith.index_cast %mul3A_26 : i32 to index
      %get3A_27 = tpu.vector_load %arg7[%get3A] {strides = array<i32>} : memref<512xi32, #tpu.memory_space<vmem>>, vector<16xi32>,
      %gather3A = tpu.vector_load_idx %arg5[%get3A_27] : memref<100000xi32, #tpu.memory_space<vmem>>[vector<16xi32>], vector<16xi32>,
      %mul3A_28 = arith.constant 16 : i32
      %mul3A_29 = arith.muli %scan3A_23, %mul3A_28 : i32
      %swap3A = arith.index_cast %mul3A_29 : i32 to index
      %swap3A_30 = tpu.vector_load %arg8[%swap3A] {strides = array<i32>} : memref<512xi32, #tpu.memory_space<vmem>>, vector<16xi32>,
      tpu.vector_store %arg8[%swap3A], %gather3A {strides = array<i32>} : memref<512xi32, #tpu.memory_space<vmem>>, vector<16xi32>,
      %scan3A_31 = arith.constant 0 : i32
      scf.yield %scan3A_31 : i32
    }
    %scan3A_22 = arith.constant 32 : i32
    "tpu.region"() ({
      %run_scoped3A = tpu.sem_alloc : memref<!tpu.dma_semaphore, #tpu.memory_space<semaphore_mem>>
      %dma_start3A = tpu.memref_slice %arg3[%mul3A_2] : memref<16384xi32, #tpu.memory_space<hbm>> -> memref<512xi32, #tpu.memory_space<hbm>>
      %dma_start3A_23 = tpu.memref_slice %arg3[%mul3A_2] : memref<16384xi32, #tpu.memory_space<hbm>> -> memref<512xi32, #tpu.memory_space<hbm>>
      tpu.enqueue_dma source(%arg8 : memref<512xi32, #tpu.memory_space<vmem>>) target(%dma_start3A_23 : memref<512xi32, #tpu.memory_space<hbm>>) target_semaphore(%run_scoped3A : memref<!tpu.dma_semaphore, #tpu.memory_space<semaphore_mem>>)
      %dma_wait3A = tpu.memref_slice %arg3[%mul3A_2] : memref<16384xi32, #tpu.memory_space<hbm>> -> memref<512xi32, #tpu.memory_space<hbm>>
      %dma_wait3A_24 = tpu.memref_slice %arg3[%mul3A_2] : memref<16384xi32, #tpu.memory_space<hbm>> -> memref<512xi32, #tpu.memory_space<hbm>>
      tpu.wait_dma2 semaphore(%run_scoped3A : memref<!tpu.dma_semaphore, #tpu.memory_space<semaphore_mem>>) src(%arg8 : memref<512xi32, #tpu.memory_space<vmem>>) dst(%dma_wait3A_24 : memref<512xi32, #tpu.memory_space<hbm>>)
      tpu.yield
    }) : () -> ()
    return
  }
}

#map = affine_map<(d0, d1) -> (0)>
#map1 = affine_map<(d0, d1) -> (0, 0)>
module attributes {stable_mosaic.version = 14 : i64} {
  func.func @new_body(%arg0: i32, %arg1: i32, %arg2: memref<16384xi32, #tpu.memory_space<hbm>>, %arg3: memref<16384xi32, #tpu.memory_space<hbm>>, %arg4: memref<16384x512xf32, #tpu.memory_space<hbm>>, %arg5: memref<100000x512xf32, #tpu.memory_space<hbm>>, %arg6: memref<100000x512xf32, #tpu.memory_space<hbm>>, %arg7: memref<512xi32, #tpu.memory_space<vmem>>, %arg8: memref<8x64xi32, #tpu.memory_space<vmem>>, %arg9: memref<8x64xi32, #tpu.memory_space<vmem>>, %arg10: memref<64x512xf32, #tpu.memory_space<vmem>>, %arg11: memref<64x512xf32, #tpu.memory_space<vmem>>, %arg12: memref<!tpu.dma_semaphore, #tpu.memory_space<semaphore_mem>>, %arg13: memref<!tpu.dma_semaphore, #tpu.memory_space<semaphore_mem>>, %arg14: memref<!tpu.dma_semaphore, #tpu.memory_space<semaphore_mem>>, %arg15: memref<!tpu.dma_semaphore, #tpu.memory_space<semaphore_mem>>) attributes {dimension_semantics = [#tpu.dimension_semantics<core_parallel>, #tpu.dimension_semantics<subcore_parallel>], iteration_bounds = array<i64: 2, 16>, scalar_prefetch = 0 : i64, scratch_operands = 9 : i64, tpu.core_type = #tpu.core_type<sc_vector_subcore>, window_params = [{transform_indices = #map}, {transform_indices = #map}, {transform_indices = #map1}, {transform_indices = #map1}, {transform_indices = #map1}]} {
    %mul3A = arith.constant 2 : i32
    %mul3A_0 = arith.muli %arg1, %mul3A : i32
    %add3A = arith.addi %mul3A_0, %arg0 : i32
    %mul3A_1 = arith.constant 512 : i32
    %mul3A_2 = arith.muli %add3A, %mul3A_1 : i32
    "tpu.region"() ({
      %run_scoped3A = tpu.sem_alloc : memref<!tpu.dma_semaphore, #tpu.memory_space<semaphore_mem>>
      %dma_start3A = tpu.memref_slice %arg2[%mul3A_2] : memref<16384xi32, #tpu.memory_space<hbm>> -> memref<512xi32, #tpu.memory_space<hbm>>
      %dma_start3A_36 = tpu.memref_slice %arg2[%mul3A_2] : memref<16384xi32, #tpu.memory_space<hbm>> -> memref<512xi32, #tpu.memory_space<hbm>>
      tpu.enqueue_dma source(%dma_start3A_36 : memref<512xi32, #tpu.memory_space<hbm>>) target(%arg7 : memref<512xi32, #tpu.memory_space<vmem>>) target_semaphore(%run_scoped3A : memref<!tpu.dma_semaphore, #tpu.memory_space<semaphore_mem>>)
      %dma_wait3A_37 = tpu.memref_slice %arg2[%mul3A_2] : memref<16384xi32, #tpu.memory_space<hbm>> -> memref<512xi32, #tpu.memory_space<hbm>>
      %dma_wait3A_38 = tpu.memref_slice %arg2[%mul3A_2] : memref<16384xi32, #tpu.memory_space<hbm>> -> memref<512xi32, #tpu.memory_space<hbm>>
      tpu.wait_dma2 semaphore(%run_scoped3A : memref<!tpu.dma_semaphore, #tpu.memory_space<semaphore_mem>>) src(%dma_wait3A_38 : memref<512xi32, #tpu.memory_space<hbm>>) dst(%arg7 : memref<512xi32, #tpu.memory_space<vmem>>)
      tpu.yield
    }) : () -> ()
    %scan3A = arith.constant 0 : i32
    %scan3A_3 = arith.constant 0 : i32
    %scan3A_4 = arith.constant 8 : i32
    %scan3A_5 = arith.addi %scan3A_3, %scan3A_4 : i32
    %scan3A_6 = arith.constant 1 : i32
    %scan3A_7 = scf.for %scan3A_36 = %scan3A_3 to %scan3A_5 step %scan3A_6 iter_args(%scan3A_37 = %scan3A) -> (i32)  : i32 {
      %scan3A_38 = arith.constant 0 : i32
      %scan3A_39 = arith.constant 0 : i32
      %mul3A_40 = arith.constant 64 : i32
      %mul3A_41 = arith.muli %scan3A_36, %mul3A_40 : i32
      %mul3A_42 = arith.constant 16 : i32
      %mul3A_43 = arith.muli %scan3A_39, %mul3A_42 : i32
      %add3A_44 = arith.addi %mul3A_41, %mul3A_43 : i32
      %get3A = arith.index_cast %add3A_44 : i32 to index
      %get3A_45 = tpu.vector_load %arg7[%get3A] {strides = array<i32>} : memref<512xi32, #tpu.memory_space<vmem>>, vector<16xi32>,
      %mul3A_46 = arith.constant 16 : i32
      %mul3A_47 = arith.muli %scan3A_39, %mul3A_46 : i32
      %swap3A = arith.index_cast %scan3A_36 : i32 to index
      %swap3A_48 = arith.index_cast %mul3A_47 : i32 to index
      %swap3A_49 = tpu.vector_load %arg8[%swap3A, %swap3A_48] {strides = array<i32>} : memref<8x64xi32, #tpu.memory_space<vmem>>, vector<16xi32>,
      tpu.vector_store %arg8[%swap3A, %swap3A_48], %get3A_45 {strides = array<i32>} : memref<8x64xi32, #tpu.memory_space<vmem>>, vector<16xi32>,
      %scan3A_50 = arith.constant 0 : i32
      %scan3A_51 = arith.constant 1 : i32
      %mul3A_52 = arith.constant 64 : i32
      %mul3A_53 = arith.muli %scan3A_36, %mul3A_52 : i32
      %mul3A_54 = arith.constant 16 : i32
      %mul3A_55 = arith.muli %scan3A_51, %mul3A_54 : i32
      %add3A_56 = arith.addi %mul3A_53, %mul3A_55 : i32
      %get3A_57 = arith.index_cast %add3A_56 : i32 to index
      %get3A_58 = tpu.vector_load %arg7[%get3A_57] {strides = array<i32>} : memref<512xi32, #tpu.memory_space<vmem>>, vector<16xi32>,
      %mul3A_59 = arith.constant 16 : i32
      %mul3A_60 = arith.muli %scan3A_51, %mul3A_59 : i32
      %swap3A_61 = arith.index_cast %scan3A_36 : i32 to index
      %swap3A_62 = arith.index_cast %mul3A_60 : i32 to index
      %swap3A_63 = tpu.vector_load %arg8[%swap3A_61, %swap3A_62] {strides = array<i32>} : memref<8x64xi32, #tpu.memory_space<vmem>>, vector<16xi32>,
      tpu.vector_store %arg8[%swap3A_61, %swap3A_62], %get3A_58 {strides = array<i32>} : memref<8x64xi32, #tpu.memory_space<vmem>>, vector<16xi32>,
      %scan3A_64 = arith.constant 0 : i32
      %scan3A_65 = arith.constant 2 : i32
      %mul3A_66 = arith.constant 64 : i32
      %mul3A_67 = arith.muli %scan3A_36, %mul3A_66 : i32
      %mul3A_68 = arith.constant 16 : i32
      %mul3A_69 = arith.muli %scan3A_65, %mul3A_68 : i32
      %add3A_70 = arith.addi %mul3A_67, %mul3A_69 : i32
      %get3A_71 = arith.index_cast %add3A_70 : i32 to index
      %get3A_72 = tpu.vector_load %arg7[%get3A_71] {strides = array<i32>} : memref<512xi32, #tpu.memory_space<vmem>>, vector<16xi32>,
      %mul3A_73 = arith.constant 16 : i32
      %mul3A_74 = arith.muli %scan3A_65, %mul3A_73 : i32
      %swap3A_75 = arith.index_cast %scan3A_36 : i32 to index
      %swap3A_76 = arith.index_cast %mul3A_74 : i32 to index
      %swap3A_77 = tpu.vector_load %arg8[%swap3A_75, %swap3A_76] {strides = array<i32>} : memref<8x64xi32, #tpu.memory_space<vmem>>, vector<16xi32>,
      tpu.vector_store %arg8[%swap3A_75, %swap3A_76], %get3A_72 {strides = array<i32>} : memref<8x64xi32, #tpu.memory_space<vmem>>, vector<16xi32>,
      %scan3A_78 = arith.constant 0 : i32
      %scan3A_79 = arith.constant 3 : i32
      %mul3A_80 = arith.constant 64 : i32
      %mul3A_81 = arith.muli %scan3A_36, %mul3A_80 : i32
      %mul3A_82 = arith.constant 16 : i32
      %mul3A_83 = arith.muli %scan3A_79, %mul3A_82 : i32
      %add3A_84 = arith.addi %mul3A_81, %mul3A_83 : i32
      %get3A_85 = arith.index_cast %add3A_84 : i32 to index
      %get3A_86 = tpu.vector_load %arg7[%get3A_85] {strides = array<i32>} : memref<512xi32, #tpu.memory_space<vmem>>, vector<16xi32>,
      %mul3A_87 = arith.constant 16 : i32
      %mul3A_88 = arith.muli %scan3A_79, %mul3A_87 : i32
      %swap3A_89 = arith.index_cast %scan3A_36 : i32 to index
      %swap3A_90 = arith.index_cast %mul3A_88 : i32 to index
      %swap3A_91 = tpu.vector_load %arg8[%swap3A_89, %swap3A_90] {strides = array<i32>} : memref<8x64xi32, #tpu.memory_space<vmem>>, vector<16xi32>,
      tpu.vector_store %arg8[%swap3A_89, %swap3A_90], %get3A_86 {strides = array<i32>} : memref<8x64xi32, #tpu.memory_space<vmem>>, vector<16xi32>,
      %scan3A_92 = arith.constant 0 : i32
      %scan3A_93 = arith.constant 4 : i32
      %scan3A_94 = arith.constant 0 : i32
      scf.yield %scan3A_94 : i32
    }
    %scan3A_8 = arith.constant 8 : i32
    "tpu.region"() ({
      %run_scoped3A = tpu.sem_alloc : memref<!tpu.dma_semaphore, #tpu.memory_space<semaphore_mem>>
      %dma_start3A = tpu.memref_slice %arg3[%mul3A_2] : memref<16384xi32, #tpu.memory_space<hbm>> -> memref<512xi32, #tpu.memory_space<hbm>>
      %dma_start3A_36 = tpu.memref_slice %arg3[%mul3A_2] : memref<16384xi32, #tpu.memory_space<hbm>> -> memref<512xi32, #tpu.memory_space<hbm>>
      tpu.enqueue_dma source(%dma_start3A_36 : memref<512xi32, #tpu.memory_space<hbm>>) target(%arg7 : memref<512xi32, #tpu.memory_space<vmem>>) target_semaphore(%run_scoped3A : memref<!tpu.dma_semaphore, #tpu.memory_space<semaphore_mem>>)
      %dma_wait3A_37 = tpu.memref_slice %arg3[%mul3A_2] : memref<16384xi32, #tpu.memory_space<hbm>> -> memref<512xi32, #tpu.memory_space<hbm>>
      %dma_wait3A_38 = tpu.memref_slice %arg3[%mul3A_2] : memref<16384xi32, #tpu.memory_space<hbm>> -> memref<512xi32, #tpu.memory_space<hbm>>
      tpu.wait_dma2 semaphore(%run_scoped3A : memref<!tpu.dma_semaphore, #tpu.memory_space<semaphore_mem>>) src(%dma_wait3A_38 : memref<512xi32, #tpu.memory_space<hbm>>) dst(%arg7 : memref<512xi32, #tpu.memory_space<vmem>>)
      tpu.yield
    }) : () -> ()
    %scan3A_9 = arith.constant 0 : i32
    %scan3A_10 = arith.constant 0 : i32
    %scan3A_11 = arith.constant 8 : i32
    %scan3A_12 = arith.addi %scan3A_10, %scan3A_11 : i32
    %scan3A_13 = arith.constant 1 : i32
    %scan3A_14 = scf.for %scan3A_36 = %scan3A_10 to %scan3A_12 step %scan3A_13 iter_args(%scan3A_37 = %scan3A_9) -> (i32)  : i32 {
      %scan3A_38 = arith.constant 0 : i32
      %scan3A_39 = arith.constant 0 : i32
      %mul3A_40 = arith.constant 64 : i32
      %mul3A_41 = arith.muli %scan3A_36, %mul3A_40 : i32
      %mul3A_42 = arith.constant 16 : i32
      %mul3A_43 = arith.muli %scan3A_39, %mul3A_42 : i32
      %add3A_44 = arith.addi %mul3A_41, %mul3A_43 : i32
      %get3A = arith.index_cast %add3A_44 : i32 to index
      %get3A_45 = tpu.vector_load %arg7[%get3A] {strides = array<i32>} : memref<512xi32, #tpu.memory_space<vmem>>, vector<16xi32>,
      %mul3A_46 = arith.constant 16 : i32
      %mul3A_47 = arith.muli %scan3A_39, %mul3A_46 : i32
      %swap3A = arith.index_cast %scan3A_36 : i32 to index
      %swap3A_48 = arith.index_cast %mul3A_47 : i32 to index
      %swap3A_49 = tpu.vector_load %arg9[%swap3A, %swap3A_48] {strides = array<i32>} : memref<8x64xi32, #tpu.memory_space<vmem>>, vector<16xi32>,
      tpu.vector_store %arg9[%swap3A, %swap3A_48], %get3A_45 {strides = array<i32>} : memref<8x64xi32, #tpu.memory_space<vmem>>, vector<16xi32>,
      %scan3A_50 = arith.constant 0 : i32
      %scan3A_51 = arith.constant 1 : i32
      %mul3A_52 = arith.constant 64 : i32
      %mul3A_53 = arith.muli %scan3A_36, %mul3A_52 : i32
      %mul3A_54 = arith.constant 16 : i32
      %mul3A_55 = arith.muli %scan3A_51, %mul3A_54 : i32
      %add3A_56 = arith.addi %mul3A_53, %mul3A_55 : i32
      %get3A_57 = arith.index_cast %add3A_56 : i32 to index
      %get3A_58 = tpu.vector_load %arg7[%get3A_57] {strides = array<i32>} : memref<512xi32, #tpu.memory_space<vmem>>, vector<16xi32>,
      %mul3A_59 = arith.constant 16 : i32
      %mul3A_60 = arith.muli %scan3A_51, %mul3A_59 : i32
      %swap3A_61 = arith.index_cast %scan3A_36 : i32 to index
      %swap3A_62 = arith.index_cast %mul3A_60 : i32 to index
      %swap3A_63 = tpu.vector_load %arg9[%swap3A_61, %swap3A_62] {strides = array<i32>} : memref<8x64xi32, #tpu.memory_space<vmem>>, vector<16xi32>,
      tpu.vector_store %arg9[%swap3A_61, %swap3A_62], %get3A_58 {strides = array<i32>} : memref<8x64xi32, #tpu.memory_space<vmem>>, vector<16xi32>,
      %scan3A_64 = arith.constant 0 : i32
      %scan3A_65 = arith.constant 2 : i32
      %mul3A_66 = arith.constant 64 : i32
      %mul3A_67 = arith.muli %scan3A_36, %mul3A_66 : i32
      %mul3A_68 = arith.constant 16 : i32
      %mul3A_69 = arith.muli %scan3A_65, %mul3A_68 : i32
      %add3A_70 = arith.addi %mul3A_67, %mul3A_69 : i32
      %get3A_71 = arith.index_cast %add3A_70 : i32 to index
      %get3A_72 = tpu.vector_load %arg7[%get3A_71] {strides = array<i32>} : memref<512xi32, #tpu.memory_space<vmem>>, vector<16xi32>,
      %mul3A_73 = arith.constant 16 : i32
      %mul3A_74 = arith.muli %scan3A_65, %mul3A_73 : i32
      %swap3A_75 = arith.index_cast %scan3A_36 : i32 to index
      %swap3A_76 = arith.index_cast %mul3A_74 : i32 to index
      %swap3A_77 = tpu.vector_load %arg9[%swap3A_75, %swap3A_76] {strides = array<i32>} : memref<8x64xi32, #tpu.memory_space<vmem>>, vector<16xi32>,
      tpu.vector_store %arg9[%swap3A_75, %swap3A_76], %get3A_72 {strides = array<i32>} : memref<8x64xi32, #tpu.memory_space<vmem>>, vector<16xi32>,
      %scan3A_78 = arith.constant 0 : i32
      %scan3A_79 = arith.constant 3 : i32
      %mul3A_80 = arith.constant 64 : i32
      %mul3A_81 = arith.muli %scan3A_36, %mul3A_80 : i32
      %mul3A_82 = arith.constant 16 : i32
      %mul3A_83 = arith.muli %scan3A_79, %mul3A_82 : i32
      %add3A_84 = arith.addi %mul3A_81, %mul3A_83 : i32
      %get3A_85 = arith.index_cast %add3A_84 : i32 to index
      %get3A_86 = tpu.vector_load %arg7[%get3A_85] {strides = array<i32>} : memref<512xi32, #tpu.memory_space<vmem>>, vector<16xi32>,
      %mul3A_87 = arith.constant 16 : i32
      %mul3A_88 = arith.muli %scan3A_79, %mul3A_87 : i32
      %swap3A_89 = arith.index_cast %scan3A_36 : i32 to index
      %swap3A_90 = arith.index_cast %mul3A_88 : i32 to index
      %swap3A_91 = tpu.vector_load %arg9[%swap3A_89, %swap3A_90] {strides = array<i32>} : memref<8x64xi32, #tpu.memory_space<vmem>>, vector<16xi32>,
      tpu.vector_store %arg9[%swap3A_89, %swap3A_90], %get3A_86 {strides = array<i32>} : memref<8x64xi32, #tpu.memory_space<vmem>>, vector<16xi32>,
      %scan3A_92 = arith.constant 0 : i32
      %scan3A_93 = arith.constant 4 : i32
      %scan3A_94 = arith.constant 0 : i32
      scf.yield %scan3A_94 : i32
    }
    %scan3A_15 = arith.constant 8 : i32
    %scan3A_16 = arith.constant 0 : i32
    %scan3A_17 = arith.constant 0 : i32
    %scan3A_18 = arith.constant 4 : i32
    %scan3A_19 = arith.addi %scan3A_17, %scan3A_18 : i32
    %scan3A_20 = arith.constant 1 : i32
    %scan3A_21 = scf.for %scan3A_36 = %scan3A_17 to %scan3A_19 step %scan3A_20 iter_args(%scan3A_37 = %scan3A_16) -> (i32)  : i32 {
      %mul3A_38 = arith.constant 2 : i32
      %mul3A_39 = arith.muli %scan3A_36, %mul3A_38 : i32
      %add3A_40 = arith.constant 0 : i32
      %add3A_41 = arith.addi %mul3A_39, %add3A_40 : i32
      %gt3A = arith.constant 0 : i32
      %gt3A_42 = arith.cmpi sgt, %scan3A_36, %gt3A : i32
      %convert_element_type3A = arith.extui %gt3A_42 : i1 to i32
      %cond3A = arith.constant 0 : i32
      %cond3A_43 = arith.cmpi ne, %convert_element_type3A, %cond3A : i32
      scf.if %cond3A_43 {
        %dma_wait3A_89 = arith.constant 0 : i32
        %dma_wait3A_90 = arith.constant 0 : i32
        %dma_wait3A_91 = tpu.memref_slice %arg8[%dma_wait3A_89, %dma_wait3A_90] : memref<8x64xi32, #tpu.memory_space<vmem>> -> memref<1x64xi32, #tpu.memory_space<vmem>>
        %dma_wait3A_92 = tpu.memref_squeeze %dma_wait3A_91 : memref<1x64xi32, #tpu.memory_space<vmem>> -> memref<64xi32, #tpu.memory_space<vmem>>
        %dma_wait3A_93 = arith.constant 0 : i32
        %dma_wait3A_94 = arith.constant 0 : i32
        %dma_wait3A_95 = tpu.memref_slice %arg5[%dma_wait3A_93, %dma_wait3A_94] : memref<100000x512xf32, #tpu.memory_space<hbm>> -> memref<100000x512xf32, #tpu.memory_space<hbm>>
        tpu.wait_indirect_dma semaphore(%arg14 : memref<!tpu.dma_semaphore, #tpu.memory_space<semaphore_mem>>) src(%arg10 : memref<64x512xf32, #tpu.memory_space<vmem>>) dst(%dma_wait3A_95 : memref<100000x512xf32, #tpu.memory_space<hbm>>)
      } else {
      }
      %dma_start3A = arith.constant 0 : i32
      %dma_start3A_44 = tpu.memref_slice %arg9[%add3A_41, %dma_start3A] : memref<8x64xi32, #tpu.memory_space<vmem>> -> memref<1x64xi32, #tpu.memory_space<vmem>>
      %dma_start3A_45 = tpu.memref_squeeze %dma_start3A_44 : memref<1x64xi32, #tpu.memory_space<vmem>> -> memref<64xi32, #tpu.memory_space<vmem>>
      %dma_start3A_46 = arith.constant 0 : i32
      %dma_start3A_47 = arith.constant 0 : i32
      %dma_start3A_48 = tpu.memref_slice %arg4[%dma_start3A_46, %dma_start3A_47] : memref<16384x512xf32, #tpu.memory_space<hbm>> -> memref<16384x512xf32, #tpu.memory_space<hbm>>
      tpu.enqueue_indirect_dma source(%dma_start3A_48 : memref<16384x512xf32, #tpu.memory_space<hbm>>) target(%arg10 : memref<64x512xf32, #tpu.memory_space<vmem>>) offsets(%dma_start3A_45 : memref<64xi32, #tpu.memory_space<vmem>>) semaphore(%arg12 : memref<!tpu.dma_semaphore, #tpu.memory_space<semaphore_mem>>)
      %dma_wait3A_49 = arith.constant 0 : i32
      %dma_wait3A_50 = tpu.memref_slice %arg9[%add3A_41, %dma_wait3A_49] : memref<8x64xi32, #tpu.memory_space<vmem>> -> memref<1x64xi32, #tpu.memory_space<vmem>>
      %dma_wait3A_51 = tpu.memref_squeeze %dma_wait3A_50 : memref<1x64xi32, #tpu.memory_space<vmem>> -> memref<64xi32, #tpu.memory_space<vmem>>
      %dma_wait3A_52 = arith.constant 0 : i32
      %dma_wait3A_53 = arith.constant 0 : i32
      %dma_wait3A_54 = tpu.memref_slice %arg4[%dma_wait3A_52, %dma_wait3A_53] : memref<16384x512xf32, #tpu.memory_space<hbm>> -> memref<16384x512xf32, #tpu.memory_space<hbm>>
      tpu.wait_indirect_dma semaphore(%arg12 : memref<!tpu.dma_semaphore, #tpu.memory_space<semaphore_mem>>) src(%dma_wait3A_54 : memref<16384x512xf32, #tpu.memory_space<hbm>>) dst(%arg10 : memref<64x512xf32, #tpu.memory_space<vmem>>)
      %dma_start3A_55 = arith.constant 0 : i32
      %dma_start3A_56 = tpu.memref_slice %arg8[%add3A_41, %dma_start3A_55] : memref<8x64xi32, #tpu.memory_space<vmem>> -> memref<1x64xi32, #tpu.memory_space<vmem>>
      %dma_start3A_57 = tpu.memref_squeeze %dma_start3A_56 : memref<1x64xi32, #tpu.memory_space<vmem>> -> memref<64xi32, #tpu.memory_space<vmem>>
      %dma_start3A_58 = arith.constant 0 : i32
      %dma_start3A_59 = arith.constant 0 : i32
      %dma_start3A_60 = tpu.memref_slice %arg5[%dma_start3A_58, %dma_start3A_59] : memref<100000x512xf32, #tpu.memory_space<hbm>> -> memref<100000x512xf32, #tpu.memory_space<hbm>>
      tpu.enqueue_indirect_dma source(%arg10 : memref<64x512xf32, #tpu.memory_space<vmem>>) target(%dma_start3A_60 : memref<100000x512xf32, #tpu.memory_space<hbm>>) offsets(%dma_start3A_57 : memref<64xi32, #tpu.memory_space<vmem>>) semaphore(%arg14 : memref<!tpu.dma_semaphore, #tpu.memory_space<semaphore_mem>>)
      %mul3A_61 = arith.constant 2 : i32
      %mul3A_62 = arith.muli %scan3A_36, %mul3A_61 : i32
      %add3A_63 = arith.constant 1 : i32
      %add3A_64 = arith.addi %mul3A_62, %add3A_63 : i32
      %gt3A_65 = arith.constant 0 : i32
      %gt3A_66 = arith.cmpi sgt, %scan3A_36, %gt3A_65 : i32
      %convert_element_type3A_67 = arith.extui %gt3A_66 : i1 to i32
      %cond3A_68 = arith.constant 0 : i32
      %cond3A_69 = arith.cmpi ne, %convert_element_type3A_67, %cond3A_68 : i32
      scf.if %cond3A_69 {
        %dma_wait3A_89 = arith.constant 0 : i32
        %dma_wait3A_90 = arith.constant 0 : i32
        %dma_wait3A_91 = tpu.memref_slice %arg8[%dma_wait3A_89, %dma_wait3A_90] : memref<8x64xi32, #tpu.memory_space<vmem>> -> memref<1x64xi32, #tpu.memory_space<vmem>>
        %dma_wait3A_92 = tpu.memref_squeeze %dma_wait3A_91 : memref<1x64xi32, #tpu.memory_space<vmem>> -> memref<64xi32, #tpu.memory_space<vmem>>
        %dma_wait3A_93 = arith.constant 0 : i32
        %dma_wait3A_94 = arith.constant 0 : i32
        %dma_wait3A_95 = tpu.memref_slice %arg5[%dma_wait3A_93, %dma_wait3A_94] : memref<100000x512xf32, #tpu.memory_space<hbm>> -> memref<100000x512xf32, #tpu.memory_space<hbm>>
        tpu.wait_indirect_dma semaphore(%arg15 : memref<!tpu.dma_semaphore, #tpu.memory_space<semaphore_mem>>) src(%arg11 : memref<64x512xf32, #tpu.memory_space<vmem>>) dst(%dma_wait3A_95 : memref<100000x512xf32, #tpu.memory_space<hbm>>)
      } else {
      }
      %dma_start3A_70 = arith.constant 0 : i32
      %dma_start3A_71 = tpu.memref_slice %arg9[%add3A_64, %dma_start3A_70] : memref<8x64xi32, #tpu.memory_space<vmem>> -> memref<1x64xi32, #tpu.memory_space<vmem>>
      %dma_start3A_72 = tpu.memref_squeeze %dma_start3A_71 : memref<1x64xi32, #tpu.memory_space<vmem>> -> memref<64xi32, #tpu.memory_space<vmem>>
      %dma_start3A_73 = arith.constant 0 : i32
      %dma_start3A_74 = arith.constant 0 : i32
      %dma_start3A_75 = tpu.memref_slice %arg4[%dma_start3A_73, %dma_start3A_74] : memref<16384x512xf32, #tpu.memory_space<hbm>> -> memref<16384x512xf32, #tpu.memory_space<hbm>>
      tpu.enqueue_indirect_dma source(%dma_start3A_75 : memref<16384x512xf32, #tpu.memory_space<hbm>>) target(%arg11 : memref<64x512xf32, #tpu.memory_space<vmem>>) offsets(%dma_start3A_72 : memref<64xi32, #tpu.memory_space<vmem>>) semaphore(%arg13 : memref<!tpu.dma_semaphore, #tpu.memory_space<semaphore_mem>>)
      %dma_wait3A_76 = arith.constant 0 : i32
      %dma_wait3A_77 = tpu.memref_slice %arg9[%add3A_64, %dma_wait3A_76] : memref<8x64xi32, #tpu.memory_space<vmem>> -> memref<1x64xi32, #tpu.memory_space<vmem>>
      %dma_wait3A_78 = tpu.memref_squeeze %dma_wait3A_77 : memref<1x64xi32, #tpu.memory_space<vmem>> -> memref<64xi32, #tpu.memory_space<vmem>>
      %dma_wait3A_79 = arith.constant 0 : i32
      %dma_wait3A_80 = arith.constant 0 : i32
      %dma_wait3A_81 = tpu.memref_slice %arg4[%dma_wait3A_79, %dma_wait3A_80] : memref<16384x512xf32, #tpu.memory_space<hbm>> -> memref<16384x512xf32, #tpu.memory_space<hbm>>
      tpu.wait_indirect_dma semaphore(%arg13 : memref<!tpu.dma_semaphore, #tpu.memory_space<semaphore_mem>>) src(%dma_wait3A_81 : memref<16384x512xf32, #tpu.memory_space<hbm>>) dst(%arg11 : memref<64x512xf32, #tpu.memory_space<vmem>>)
      %dma_start3A_82 = arith.constant 0 : i32
      %dma_start3A_83 = tpu.memref_slice %arg8[%add3A_64, %dma_start3A_82] : memref<8x64xi32, #tpu.memory_space<vmem>> -> memref<1x64xi32, #tpu.memory_space<vmem>>
      %dma_start3A_84 = tpu.memref_squeeze %dma_start3A_83 : memref<1x64xi32, #tpu.memory_space<vmem>> -> memref<64xi32, #tpu.memory_space<vmem>>
      %dma_start3A_85 = arith.constant 0 : i32
      %dma_start3A_86 = arith.constant 0 : i32
      %dma_start3A_87 = tpu.memref_slice %arg5[%dma_start3A_85, %dma_start3A_86] : memref<100000x512xf32, #tpu.memory_space<hbm>> -> memref<100000x512xf32, #tpu.memory_space<hbm>>
      tpu.enqueue_indirect_dma source(%arg11 : memref<64x512xf32, #tpu.memory_space<vmem>>) target(%dma_start3A_87 : memref<100000x512xf32, #tpu.memory_space<hbm>>) offsets(%dma_start3A_84 : memref<64xi32, #tpu.memory_space<vmem>>) semaphore(%arg15 : memref<!tpu.dma_semaphore, #tpu.memory_space<semaphore_mem>>)
      %scan3A_88 = arith.constant 0 : i32
      scf.yield %scan3A_88 : i32
    }
    %scan3A_22 = arith.constant 4 : i32
    %dma_wait3A = arith.constant 0 : i32
    %dma_wait3A_23 = arith.constant 0 : i32
    %dma_wait3A_24 = tpu.memref_slice %arg8[%dma_wait3A, %dma_wait3A_23] : memref<8x64xi32, #tpu.memory_space<vmem>> -> memref<1x64xi32, #tpu.memory_space<vmem>>
    %dma_wait3A_25 = tpu.memref_squeeze %dma_wait3A_24 : memref<1x64xi32, #tpu.memory_space<vmem>> -> memref<64xi32, #tpu.memory_space<vmem>>
    %dma_wait3A_26 = arith.constant 0 : i32
    %dma_wait3A_27 = arith.constant 0 : i32
    %dma_wait3A_28 = tpu.memref_slice %arg5[%dma_wait3A_26, %dma_wait3A_27] : memref<100000x512xf32, #tpu.memory_space<hbm>> -> memref<100000x512xf32, #tpu.memory_space<hbm>>
    tpu.wait_indirect_dma semaphore(%arg14 : memref<!tpu.dma_semaphore, #tpu.memory_space<semaphore_mem>>) src(%arg10 : memref<64x512xf32, #tpu.memory_space<vmem>>) dst(%dma_wait3A_28 : memref<100000x512xf32, #tpu.memory_space<hbm>>)
    %dma_wait3A_29 = arith.constant 0 : i32
    %dma_wait3A_30 = arith.constant 0 : i32
    %dma_wait3A_31 = tpu.memref_slice %arg8[%dma_wait3A_29, %dma_wait3A_30] : memref<8x64xi32, #tpu.memory_space<vmem>> -> memref<1x64xi32, #tpu.memory_space<vmem>>
    %dma_wait3A_32 = tpu.memref_squeeze %dma_wait3A_31 : memref<1x64xi32, #tpu.memory_space<vmem>> -> memref<64xi32, #tpu.memory_space<vmem>>
    %dma_wait3A_33 = arith.constant 0 : i32
    %dma_wait3A_34 = arith.constant 0 : i32
    %dma_wait3A_35 = tpu.memref_slice %arg5[%dma_wait3A_33, %dma_wait3A_34] : memref<100000x512xf32, #tpu.memory_space<hbm>> -> memref<100000x512xf32, #tpu.memory_space<hbm>>
    tpu.wait_indirect_dma semaphore(%arg15 : memref<!tpu.dma_semaphore, #tpu.memory_space<semaphore_mem>>) src(%arg11 : memref<64x512xf32, #tpu.memory_space<vmem>>) dst(%dma_wait3A_35 : memref<100000x512xf32, #tpu.memory_space<hbm>>)
    return
  }
}

</mosaic_0001>

<sc_bundles>
// kernel: kernel.4.cloned.1.call-start
scs
__scs_entry_jumppad:
0x0: {  	(pc) =	sbr.rel $0x88, $3  }
0x1: {  	(tag) =	ssettag $0x0;
	lr =	simm.s32 $0x1  }
0x2: {  	[smem:$0x3F9E] =	sst lr;
	_ =	strace $0xD0000000  }
0x3: {  	_ = 	snop  }
0x4: {  	_ = 	snop  }
0x5: {  	_ = 	snop  }
0x6: {  	_ = 	snop  }
0x7: {  	_ = 	snop  }
__scs_overlays_trampoline_lowered:
0x8: {  	[smem:$0x3FAD] =	sst s0  }
0x9: {  	[smem:$0x3FAE] =	sst s1  }
0xa: {  	[smem:$0x3FAF] =	sst s2  }
0xb: {  	[smem:$0x3FB0] =	sst s3  }
0xc: {  	[smem:$0x3FB1] =	sst s4  }
0xd: {  	[smem:$0x3FB2] =	sst s5  }
0xe: {  	[smem:$0x3FB3] =	sst s6  }
0xf: {  	[smem:$0x3FB4] =	sst s7  }
0x10: {  	[smem:$0x3FB5] =	sst s8  }
0x11: {  	[smem:$0x3FB6] =	sst s9;
	s0 =	simm.s32 @!p0 $0x0  }
0x12: {  	s1 =	sld [smem:$0x3F9C];
	s0 =	simm.s32 @p0 $0x1  }
0x13: {  	[smem:$0x3FB7] =	sst s0;
	s0 =	simm.s32 @!p1 $0x0  }
0x14: {  	s2 =	sld [smem:$0x3F9B];
	s0 =	simm.s32 @p1 $0x1  }
0x15: {  	[smem:$0x3FB8] =	sst s0;
	s0 =	simm.s32 @!p2 $0x0  }
0x16: {  	s3 =	sld [smem:$0x3FDB];
	s0 =	simm.s32 @p2 $0x1  }
0x17: {  	s4 =	simm.s32 $0x1BF5;
	[smem:$0x3FBA] =	sst s0  }
0x18: {  	s0 =	sld [smem:$0x3F9D];
	_ =	swait.ge [sflag:s4], $0x0  }
0x19: {  	s7 =	sld [smem:$0x3F9E]  }
0x1a: {  	s8 =	sadd.s32 $0xFFFFE003, lr  }
0x1b: {  	s9 =	sadd.s32 $0xFFFFFEF7, lr;
	s5 =	simm.s32 $0xFFFFFFFF;
	p2 =	slt.u32 s8, $0xFFFFF086  }
0x1c: {  	p1 =	slt.u32 s9, $0xF7A;
	s5 =	simm.s32 @!p2 $0x0  }
0x1d: {  	s5 =	simm.s32 @p1 $0x1;
	p0 =	seq.s32 s7, s2  }
0x1e: {  	s7 =	smul.u32 @!p0 $0xF7A, s2;
	p2 =	seq.s32 @!p0 s5, $0x0  }
0x1f: {  	s9 =	smul.u32 $0xF7A, s1;
	s8 =	simm.s32 @!p0 $0x1BF5;
	p2 =	por !p2, p0  }
0x20: {  	[sflag:s8] =	ssyncset.s32 @!p0 $0xFFFFF086;
	s6 =	sadd.s32 @!p0 s3, s7;
	s7 =	simm.s32 @!p0 $0x108  }
0x21: {  	s3 =	sadd.s32 s3, s9;
	s6 =	sadd.s32 @!p0 $0x88, s6;
	s7 =	simm.s32 @p2 $0x1082  }
0x22: {  	[simem:s7], [sflag:s8] =	dma.local @!p0 [hbm:s6], $0xF7A  }
0x23: {  	s9 =	sor.u32 $0xD0000000, s2;
	s6 =	simm.s32 $0x108;
	_ =	swait.ge @!p0 [sflag:s8], $0x0  }
0x24: {  	s3 =	sadd.s32 $0x88, s3;
	s6 =	simm.s32 @!p1 $0x1082;
	[sflag:s4] =	ssyncset.s32 $0xFFFFF086  }
0x25: {  	[simem:s6], [sflag:s4] =	dma.local [hbm:s3], $0xF7A  }
0x26: {  	[smem:$0x3F9E] =	sst s1;
	(tag) =	ssettag s2;
	_ =	strace s9  }
0x27: {  	s1 =	sld [smem:$0x3FAE]  }
0x28: {  	s2 =	sld [smem:$0x3FAF]  }
0x29: {  	s4 =	sld [smem:$0x3FB1]  }
0x2a: {  	p0 =	seq.s32 s5, $0x0;
	s5 =	sld [smem:$0x3FB2]  }
0x2b: {  	s6 =	sld [smem:$0x3FB3]  }
0x2c: {  	s7 =	sld [smem:$0x3FB4]  }
0x2d: {  	s3 =	simm.s32 $0x108;
	s8 =	sld [smem:$0x3FB5]  }
0x2e: {  	s3 =	simm.s32 @!p0 $0x1082;
	s9 =	sld [smem:$0x3FB6]  }
0x2f: {  	lr =	sadd.s32 s0, s3;
	s0 =	sld [smem:$0x3FAD]  }
0x30: {  	s3 =	sld [smem:$0x3FB0]  }
0x31: {  	[smem:$0x3FB9] =	sst s10  }
0x32: {  	s10 =	sld [smem:$0x3FB7];
	_ =	sdelay $0x3  }
0x33: {  	p0 =	seq.s32 s10, $0x1;
	s10 =	sld [smem:$0x3FB9];
	_ =	sdelay $0x3  }
0x34: {  	[smem:$0x3FB9] =	sst s10  }
0x35: {  	s10 =	sld [smem:$0x3FB8];
	_ =	sdelay $0x3  }
0x36: {  	p1 =	seq.s32 s10, $0x1;
	s10 =	sld [smem:$0x3FB9];
	_ =	sdelay $0x3  }
0x37: {  	[smem:$0x3FB9] =	sst s10  }
0x38: {  	s10 =	sld [smem:$0x3FBA]  }
0x39: {  	_ = 	snop;
	(pc) =	sbr.ind lr, $3  }
0x3a: {  	_ = 	snop  }
0x3b: {  	_ = 	snop  }
0x3c: {  	p2 =	seq.s32 s10, $0x1;
	s10 =	sld [smem:$0x3FB9]  }
0x3d: {  	_ =	shalt  }
0x3e: {  	_ =	shalt  }
0x3f: {  	_ =	shalt  }
0x40: {  	_ =	shalt  }
0x41: {  	_ =	shalt  }
0x42: {  	_ =	shalt  }
0x43: {  	_ =	shalt  }
0x44: {  	_ =	shalt  }
0x45: {  	_ =	shalt  }
0x46: {  	_ =	shalt  }
0x47: {  	_ =	shalt  }
0x48: {  	_ =	shalt  }
0x49: {  	_ =	shalt  }
0x4a: {  	_ =	shalt  }
0x4b: {  	_ =	shalt  }
0x4c: {  	_ =	shalt  }
0x4d: {  	_ =	shalt  }
0x4e: {  	_ =	shalt  }
0x4f: {  	_ =	shalt  }
0x50: {  	_ =	shalt  }
0x51: {  	_ =	shalt  }
0x52: {  	_ =	shalt  }
0x53: {  	_ =	shalt  }
0x54: {  	_ =	shalt  }
0x55: {  	_ =	shalt  }
0x56: {  	_ =	shalt  }
0x57: {  	_ =	shalt  }
0x58: {  	_ =	shalt  }
0x59: {  	_ =	shalt  }
0x5a: {  	_ =	shalt  }
0x5b: {  	_ =	shalt  }
0x5c: {  	_ =	shalt  }
0x5d: {  	_ =	shalt  }
0x5e: {  	_ =	shalt  }
0x5f: {  	_ =	shalt  }
0x60: {  	_ =	shalt  }
0x61: {  	_ =	shalt  }
0x62: {  	_ =	shalt  }
0x63: {  	_ =	shalt  }
0x64: {  	_ =	shalt  }
0x65: {  	_ =	shalt  }
0x66: {  	_ =	shalt  }
0x67: {  	_ =	shalt  }
0x68: {  	_ =	shalt  }
0x69: {  	_ =	shalt  }
0x6a: {  	_ =	shalt  }
0x6b: {  	_ =	shalt  }
0x6c: {  	_ =	shalt  }
0x6d: {  	_ =	shalt  }
0x6e: {  	_ =	shalt  }
0x6f: {  	_ =	shalt  }
0x70: {  	_ =	shalt  }
0x71: {  	_ =	shalt  }
0x72: {  	_ =	shalt  }
0x73: {  	_ =	shalt  }
0x74: {  	_ =	shalt  }
0x75: {  	_ =	shalt  }
0x76: {  	_ =	shalt  }
0x77: {  	_ =	shalt  }
0x78: {  	_ =	shalt  }
0x79: {  	_ =	shalt  }
0x7a: {  	_ =	shalt  }
0x7b: {  	_ =	shalt  }
0x7c: {  	_ =	shalt  }
0x7d: {  	_ =	shalt  }
0x7e: {  	_ =	shalt  }
0x7f: {  	_ =	shalt  }
0x80: {  	_ =	shalt  }
0x81: {  	_ =	shalt  }
0x82: {  	_ =	shalt  }
0x83: {  	_ =	shalt  }
0x84: {  	_ =	shalt  }
0x85: {  	_ =	shalt  }
0x86: {  	_ =	shalt  }
0x87: {  	_ =	shalt  }
.Lfunc_end0:
.L_simem_size_0:
called_computation_lowered:
.L_overlay_start_0:
0x88: {  	s2 =	sld [smem:$0x3FD9]  }
0x89: {  	s3 =	sld [smem:$0x3FFE];
	_ =	sdelay $0x1  }
0x8a: {  	s1 =	srdreg.scid  }
0x8b: {  	s0 =	sand.u32 $0x1, s1  }
0x8c: {  	s17 =	sshll.u32 s0, $0xA;
	s2 =	sadd.s32 s3, s2  }
0x8d: {  	s2 =	sadd.s32 s2, s17  }
0x8e: {  	[smem:$0x3FC5] =	sst s2  }
0x8f: {  	_ = 	snop  }
0x90: {  	s2 =	sld [smem:$0x3FC8];
	(tm) =	ssettm $0x1  }
0x91: {  	s18 =	sld [smem:$0x3FFB];
	_ =	sdelay $0x3  }
0x92: {  	_ =	strace s18  }
0x93: {  	s3 =	sld [smem:$0x3FFC];
	_ =	sdelay $0x3  }
0x94: {  	_ =	strace s3  }
0x95: {  	s3 =	sld [smem:$0x3FFD];
	_ =	sdelay $0x3  }
0x96: {  	_ =	strace s3  }
0x97: {  	_ =	strace $0x8FFFFFFF  }
0x98: {  	s19 =	sld [smem:$0x3FDB];
	_ =	sdelay $0x1  }
0x99: {  	s4 =	simm.s32 $_scs_section_size  }
0x9a: {  	s5 =	simm.s32 $_size__tile_overlayer_lowered;
	s6 =	simm.s32 $_tile_overlayer_lowered  }
0x9b: {  	s22 =	simm.s32 $0x1BFF;
	s21 =	sshll.u32 s6, $0x1;
	s3 =	sadd.s32 s4, s19  }
0x9c: {  	s7 =	simm.s32 $0x0;
	s20 =	sshll.u32 s5, $0x1;
	s5 =	sadd.s32 s21, s3  }
0x9d: {  	[timem:s7], [sflag:s22] =	dma.local [hbm:s5], s20  }
0x9e: {  	_ =	swait.ge [sflag:s22], s20  }
0x9f: {  	s4 =	ssub.s32 $0x0, s20;
	[sflag:s22] =	ssyncset.done $0x0  }
0xa0: {  	[sflag:s22] =	ssyncadd.s32 s4;
	_ =	sdelay $0x1  }
0xa1: {  	s23 =	simm.s32 $0x1B8B  }
0xa2: {  	_ =	swait.ge [sflag:s23], $0x1  }
0xa3: {  	[sflag:s23] =	ssyncset.done $0x0  }
0xa4: {  	s25 =	simm.s32 $0x1B8E;
	s24 =	sld [smem:$0x3FFE];
	[sflag:s23] =	ssyncadd.s32 $0xFFFFFFFF  }
0xa5: {  	s26 =	simm.s32 $execute0_lowered;
	[smem:$0x3FD2] =	sst s25  }
0xa6: {  	s5 =	sshll.u32 s26, $0x1;
	_ =	strace $0x80000046;
	[dreg:$0x1] =	wrdreg $0xFFFFFFFF  }
0xa7: {  	s28 =	simm.s32 $_size_execute0_lowered;
	s3 =	sadd.s32 s3, s5;
	[dreg:$0x0] =	wrdreg $0x0  }
0xa8: {  	s5 =	sshll.u32 s28, $0x1;
	[dreg:$0x2] =	wrdreg s3  }
0xa9: {  	[dreg:$0x3] =	wrdreg s5  }
0xaa: {  	[dreg:$0x4] =	wrdreg $0xC0  }
0xab: {  	_ =	task [dreg:s7], $0x5FFFF  }
0xac: {  	[dreg:$0x1] =	wrdreg $0xFFFFFFFF  }
0xad: {  	[dreg:$0x0] =	wrdreg $0x60  }
0xae: {  	[dreg:$0x2] =	wrdreg s2  }
0xaf: {  	[dreg:$0x3] =	wrdreg s24  }
0xb0: {  	[dreg:$0x4] =	wrdreg $0x9  }
0xb1: {  	_ =	task.clear_ibuf [dreg:s7], $0x5FFFF;
	_ =	strace $0x90000046  }
0xb2: {  	s29 =	simm.s32 $0x9;
	_ =	strace $0x80000048  }
0xb3: {  	_ =	swait.ge [sflag:s29], $0x1  }
0xb4: {  	[sflag:s29] =	ssyncadd.s32 $0xFFFFFFFF  }
0xb5: {  	_ =	strace $0x90000048  }
0xb6: {  	_ =	sfence  }
0xb7: {  	s30 =	sld [smem:$0x0];
	_ =	sdelay $0x2  }
0xb8: {  	s31 =	sshll.u32 s1, $0xD;
	s1 =	sshrl.u32 s1, $0x2  }
0xb9: {  	s3 =	sand.u32 $0x4000, s31;
	s1 =	sadd.s32 s1, s30  }
0xba: {  	s0 =	sor.u32 s3, s0;
	s1 =	sshll.u32 s1, $0x11  }
0xbb: {  	s0 =	sor.u32 s1, s0  }
0xbc: {  	s0 =	sadd.s32 $0x8F2B, s0  }
0xbd: {  	[sflag:s0] =	ssyncadd.remote.s32 $0x1  }
0xbe: {  	_ =	sfence.sel $0xFFFF  }
0xbf: {  	[dreg:$0x0] =	wrdreg $0xFFFFFFFF;
	(pc) =	sbr.abs _section_cstart, $3  }
0xc0: {  	[dreg:$0x1] =	wrdreg $0xFFFFFFFF  }
0xc1: {  	_ =	task.clear_ibuf [dreg:s7], $0x2FFFF;
	_ =	strace $0x9FFFFFFF  }
0xc2: {  	(tm) =	ssettm $0x7FFFFFFF  }
0xc3: {  	_ =	shalt  }
tec
execute0_lowered:
.L_overlay_start_1:
0x0: {  	(tag) =	ssettag $0x1  }
0x1: {  	s1 =	rddreg [dreg:$0x0]  }
0x2: {  	s4 =	rddreg [dreg:$0x1]  }
0x3: {  	s0 =	rddreg [dreg:$0x2];
	s5 =	srdreg.scid;
	v0 =	vimm.s32 $0xFFEDCBA9;
	v1 =	vimm.s32 $0x87654321  }
0x4: {  	s3 =	simm.s32 $0x0;
	s2 =	stileid.u32;
	s9 =	simm.s32 $0x800;
	v0 =	vunpack.c.l.s4.s8 v0;
	v1 =	vunpack.c.l.s4.s8 v1  }
0x5: {  	s10 =	simm.s32 $0x18F80;
	s11 =	simm.s32 $0x19180;
	s5 =	sand.u32 $0x1, s5  }
0x6: {  	s12 =	simm.s32 $0x0;
	s6 =	sshll.u32 s2, $0x7;
	s7 =	sshll.u32 s5, $0x6;
	v0 =	vunpack.c.0.s8.s32 v0;
	v1 =	vunpack.c.0.s8.s32 v1  }
0x7: {  	[smem:$0x7FF] =	sst s3;
	s5 =	ssub.s32 $0x2, s5;
	s6 =	sor.u32 s7, s6  }
0x8: {  	_ =	strace $0x80000047;
	s31 =	sshrl.u32 s5, $0x1;
	s8 =	sadd.s32 s6, s4;
	v1 =	vcombine.low v1, v0  }
0x9: {  	s7 =	ssub.s32 s5, s31;
	s4 =	sadd.s32 s1, s6;
	s5 =	sadd.s32 $0x800, s8  }
0xa: {  	vm0 =	vcmask $0x3F3C;
	s6 =	smax.u32 s7, $0x1;
	s7 =	simm.s32 $0x1;
	s8 =	simm.s32 $0x18F00;
	v0 =	vlaneseq.u32;
	v1 =	vand.u32 $0xF, v1  }
.LBB2_1:
0xb: {  	s13 =	simm.s32 $0x0;
	s14 =	simm.s32 $0x0  }
.LBB2_2:
0xc: {  	s15 =	sshll.u32 s14, $0x8  }
0xd: {  	s16 =	simm.s32 $0x0;
	s15 =	sadd.s32 s1, s15  }
0xe: {  	[tilespmem:s16], [sflag:$0x1] =	stream.linear.gather [hbm4b:s15+s16], $0x800, $0x38;
	[tilespmem:$0x19380] =	vst v63  }
0xf: {  	_ =	swait.ge [sflag:s7], $0x800  }
0x10: {  	[sflag:s7] =	ssyncset.done $0x0  }
0x11: {  	s31 =	simm.s32 $0x0;
	[sflag:s7] =	ssyncadd.s32 $0xFFFFF800  }
0x12: {  	v2 =	vld [tilespmem:s31+$0x0];
	_ =	sdelay $0x4  }
0x13: {  	v2 =	vshll.u32 v2, $0xE  }
0x14: {  	v2 =	vadd.s32 s13, v2  }
0x15: {  	v2 =	vadd.s32 v0, v2  }
0x16: {  	v3 =	vxor.u32 $0x80000000, v2  }
0x17: {  	(xrf1) =	vsort.ascd.msk.u32 $0xffff, v3, v2;
	_ =	sdelay $0xd  }
0x18: {  	v3, _, _ =	vpop (xrf1)  }
0x19: {  	v2 =	vshra.s32 v3, $0xE  }
0x1a: {  	v2 =	vxor.u32 $0xFFFE0000, v2  }
0x1b: {  	[tilespmem:$0x18F00] =	vst v2  }
0x1c: {  	v4 =	vld.idx.msk [tilespmem:v1+s8+$0x0], $0xffff;
	_ =	sdelay $0x4  }
0x1d: {  	vm1 =	vne.s32 v2, v4  }
0x1e: {  	vm1 =	vmor vm1, vm0;
	_ =	sdelay $0x3  }
0x1f: {  	s17 =	simm.s32 $0x80;
	s16 =	simm.s32 $0x40;
	s15 =	smov.u32 s13;
	v3 =	vand.u32 $0x3FFF, v3  }
.LBB2_3:
0x20: {  	s18 =	sshra.s32 s16, $0x2  }
0x21: {  	[tilespmem:v2+s9+$0x0] =	vst.idx.msk vm1, v3;
	s15 =	sadd.s32 $0x10, s15;
	s16 =	smov.u32 s17;
	s19 =	sadd.s32 $0x40, s17  }
0x22: {  	p0 =	sne.s32 s17, $0x1FC0;
	v2 =	vld [tilespmem:s18+$0x0];
	_ =	sdelay $0x4  }
0x23: {  	v2 =	vshll.u32 v2, $0xE  }
0x24: {  	v2 =	vadd.s32 s15, v2  }
0x25: {  	v2 =	vadd.s32 v0, v2  }
0x26: {  	v3 =	vxor.u32 $0x80000000, v2  }
0x27: {  	(xrf1) =	vsort.ascd.msk.u32 $0xffff, v3, v2;
	_ =	sdelay $0xd  }
0x28: {  	v3, _, _ =	vpop (xrf1)  }
0x29: {  	v2 =	vshra.s32 v3, $0xE  }
0x2a: {  	v2 =	vxor.u32 $0xFFFE0000, v2  }
0x2b: {  	[tilespmem:$0x18F00] =	vst v2  }
0x2c: {  	v4 =	vld.idx.msk [tilespmem:v1+s8+$0x0], $0xffff;
	_ =	sdelay $0x5  }
0x2d: {  	vm1 =	vne.s32 v2, v4  }
0x2e: {  	vm1 =	vmor vm1, vm0  }
.Ltmp0:
0x2f: {  	(pc) =	sbr.rel @p0 .LBB2_3-.Ltmp0, $2  }
0x30: {  	_ =	sdelay $0x2  }
0x31: {  	s17 =	smov.u32 s19;
	v3 =	vand.u32 $0x3FFF, v3  }
0x32: {  	_ =	sdelay $0x4  }
0x33: {  	s16 =	sshra.s32 s16, $0x2;
	[tilespmem:v2+s9+$0x0] =	vst.idx.msk vm1, v3  }
0x34: {  	v2 =	vld [tilespmem:s16+$0x0];
	_ =	sdelay $0x4  }
0x35: {  	s15 =	sadd.s32 $0x10, s15;
	v2 =	vshll.u32 v2, $0xE  }
0x36: {  	v2 =	vadd.s32 s15, v2  }
0x37: {  	v2 =	vadd.s32 v0, v2  }
0x38: {  	v3 =	vxor.u32 $0x80000000, v2  }
0x39: {  	(xrf1) =	vsort.ascd.msk.u32 $0xffff, v3, v2;
	_ =	sdelay $0xd  }
0x3a: {  	v2, _, _ =	vpop (xrf1)  }
0x3b: {  	v3 =	vshra.s32 v2, $0xE  }
0x3c: {  	v3 =	vxor.u32 $0xFFFE0000, v3  }
0x3d: {  	[tilespmem:$0x18F00] =	vst v3  }
0x3e: {  	v4 =	vld.idx.msk [tilespmem:v1+s8+$0x0], $0xffff;
	_ =	sdelay $0x4  }
0x3f: {  	vm1 =	vne.s32 v3, v4  }
0x40: {  	s14 =	sadd.s32 $0x1, s14;
	vm1 =	vmor vm1, vm0  }
0x41: {  	p0 =	sne.s32 s14, $0x8  }
.Ltmp1:
0x42: {  	_ = 	snop;
	(pc) =	sbr.rel @p0 .LBB2_2-.Ltmp1, $3  }
0x43: {  	_ =	sdelay $0x1  }
0x44: {  	v2 =	vand.u32 $0x3FFF, v2  }
0x45: {  	s13 =	sadd.s32 $0x800, s13;
	[tilespmem:v3+s9+$0x0] =	vst.idx.msk vm1, v2  }
0x46: {  	s13 =	simm.s32 $0x0  }
0x47: {  	[tilespmem:s10], [sflag:$0x1] =	stream.linear.gather [hbm4b:s4+s13], $0x200, $0x38;
	[tilespmem:$0x19380] =	vst v63  }
0x48: {  	_ =	swait.ge [sflag:s7], $0x200  }
0x49: {  	[sflag:s7] =	ssyncset.done $0x0  }
0x4a: {  	s13 =	simm.s32 $0x0;
	[sflag:s7] =	ssyncadd.s32 $0xFFFFFE00  }
0x4b: {  	v2 =	vld [tilespmem:s13+$0x18F80];
	_ =	sdelay $0x7  }
0x4c: {  	s14 =	simm.s32 $0x10;
	s15 =	simm.s32 $0x80;
	v2 =	vld.idx.msk [tilespmem:v2+s9+$0x0], $0xffff  }
.LBB2_6:
0x4d: {  	p0 =	sne.s32 s15, $0x7C0;
	v3 =	vld [tilespmem:s14+$0x18F80];
	_ =	sdelay $0x3  }
.Ltmp2:
0x4e: {  	(pc) =	sbr.rel @p0 .LBB2_6-.Ltmp2, $2  }
0x4f: {  	[tilespmem:s13+$0x19180] =	vst v2;
	s13 =	smov.u32 s14;
	_ =	sdelay $0x2  }
0x50: {  	s14 =	sshra.s32 s15, $0x2;
	s15 =	sadd.s32 $0x40, s15;
	v2 =	vld.idx.msk [tilespmem:v3+s9+$0x0], $0xffff  }
0x51: {  	v3 =	vld [tilespmem:s14+$0x18F80];
	_ =	sdelay $0x6  }
0x52: {  	[tilespmem:s13+$0x19180] =	vst v2  }
0x53: {  	v2 =	vld.idx.msk [tilespmem:v3+s9+$0x0], $0xffff;
	_ =	sdelay $0x2  }
0x54: {  	s12 =	sadd.s32 $0x1, s12  }
0x55: {  	p0 =	sne.s32 s12, s6  }
.Ltmp3:
0x56: {  	[tilespmem:s14+$0x19180] =	vst v2;
	(pc) =	sbr.rel @p0 .LBB2_1-.Ltmp3, $4  }
0x57: {  	[hbm4b:s5+s3] =	stream.linear.scatter [tilespmem:s11], [sflag:$0x1], $0x200, $0x38;
	[tilespmem:$0x19380] =	vst v63  }
0x58: {  	_ =	swait.ge [sflag:s7], $0x200  }
0x59: {  	[sflag:s7] =	ssyncset.done $0x0  }
0x5a: {  	[sflag:s7] =	ssyncadd.s32 $0xFFFFFE00  }
0x5b: {  	_ =	sfence.sel $0x180000  }
0x5c: {  	[bflag:$0x0] =	sbarrier.arrive $0xFFFF  }
0x5d: {  	p0 =	sne.s32 s2, $0x0;
	_ =	strace $0x90000047  }
0x5e: {  	s0 =	sadd.s32 @!p0 $0x100000, s0;
	[bflag:$0x2] =	sbarrier.arrive $0xFFFF  }
0x5f: {  	[sflag:s0] =	ssyncadd.tile.s32 @!p0 $0x1;
	_ =	shalt  }
.Lfunc_end2:
_tile_overlayer_lowered:
.L_overlay_start_2:
0x60: {  	(tag) =	ssettag $0x2  }
0x61: {  	s0 =	rddreg [dreg:$0x0];
	s2 =	stileid.u32  }
0x62: {  	s1 =	rddreg [dreg:$0x1];
	p0 =	sne.s32 s2, $0x0  }
0x63: {  	s3 =	rddreg [dreg:$0x2];
	[bflag:$0x3] =	sbarrier.arrive $0xFFFF;
	s2 =	simm.s32 @!p0 $0x1C01  }
0x64: {  	[timem:s3], [sflag:s2] =	dma.local @!p0 [hbm:s0], s1  }
0x65: {  	s0 =	simm.s32 @!p0 $0x1  }
0x66: {  	_ =	swait.ge @!p0 [sflag:s0], s1  }
0x67: {  	s1 =	ssub.s32 @!p0 $0x0, s1;
	[sflag:s0] =	ssyncset.done @!p0 $0x0  }
0x68: {  	[sflag:s0] =	ssyncadd.s32 @!p0 s1  }
0x69: {  	[bflag:$0x3] =	sbarrier.arrive $0xFFFF  }
0x6a: {  	_ =	shalt  }

// kernel: kernel.7.cloned.1.call-start
scs
__scs_entry_jumppad:
0x0: {  	(pc) =	sbr.rel $0x88, $3  }
0x1: {  	(tag) =	ssettag $0x0;
	lr =	simm.s32 $0x1  }
0x2: {  	[smem:$0x3F9E] =	sst lr;
	_ =	strace $0xD0000000  }
0x3: {  	_ = 	snop  }
0x4: {  	_ = 	snop  }
0x5: {  	_ = 	snop  }
0x6: {  	_ = 	snop  }
0x7: {  	_ = 	snop  }
__scs_overlays_trampoline_lowered:
0x8: {  	[smem:$0x3FAD] =	sst s0  }
0x9: {  	[smem:$0x3FAE] =	sst s1  }
0xa: {  	[smem:$0x3FAF] =	sst s2  }
0xb: {  	[smem:$0x3FB0] =	sst s3  }
0xc: {  	[smem:$0x3FB1] =	sst s4  }
0xd: {  	[smem:$0x3FB2] =	sst s5  }
0xe: {  	[smem:$0x3FB3] =	sst s6  }
0xf: {  	[smem:$0x3FB4] =	sst s7  }
0x10: {  	[smem:$0x3FB5] =	sst s8  }
0x11: {  	[smem:$0x3FB6] =	sst s9;
	s0 =	simm.s32 @!p0 $0x0  }
0x12: {  	s1 =	sld [smem:$0x3F9C];
	s0 =	simm.s32 @p0 $0x1  }
0x13: {  	[smem:$0x3FB7] =	sst s0;
	s0 =	simm.s32 @!p1 $0x0  }
0x14: {  	s2 =	sld [smem:$0x3F9B];
	s0 =	simm.s32 @p1 $0x1  }
0x15: {  	[smem:$0x3FB8] =	sst s0;
	s0 =	simm.s32 @!p2 $0x0  }
0x16: {  	s3 =	sld [smem:$0x3FDB];
	s0 =	simm.s32 @p2 $0x1  }
0x17: {  	s4 =	simm.s32 $0x1BF5;
	[smem:$0x3FBA] =	sst s0  }
0x18: {  	s0 =	sld [smem:$0x3F9D];
	_ =	swait.ge [sflag:s4], $0x0  }
0x19: {  	s7 =	sld [smem:$0x3F9E]  }
0x1a: {  	s8 =	sadd.s32 $0xFFFFE003, lr  }
0x1b: {  	s9 =	sadd.s32 $0xFFFFFEF7, lr;
	s5 =	simm.s32 $0xFFFFFFFF;
	p2 =	slt.u32 s8, $0xFFFFF086  }
0x1c: {  	p1 =	slt.u32 s9, $0xF7A;
	s5 =	simm.s32 @!p2 $0x0  }
0x1d: {  	s5 =	simm.s32 @p1 $0x1;
	p0 =	seq.s32 s7, s2  }
0x1e: {  	s7 =	smul.u32 @!p0 $0xF7A, s2;
	p2 =	seq.s32 @!p0 s5, $0x0  }
0x1f: {  	s9 =	smul.u32 $0xF7A, s1;
	s8 =	simm.s32 @!p0 $0x1BF5;
	p2 =	por !p2, p0  }
0x20: {  	[sflag:s8] =	ssyncset.s32 @!p0 $0xFFFFF086;
	s6 =	sadd.s32 @!p0 s3, s7;
	s7 =	simm.s32 @!p0 $0x108  }
0x21: {  	s3 =	sadd.s32 s3, s9;
	s6 =	sadd.s32 @!p0 $0x88, s6;
	s7 =	simm.s32 @p2 $0x1082  }
0x22: {  	[simem:s7], [sflag:s8] =	dma.local @!p0 [hbm:s6], $0xF7A  }
0x23: {  	s9 =	sor.u32 $0xD0000000, s2;
	s6 =	simm.s32 $0x108;
	_ =	swait.ge @!p0 [sflag:s8], $0x0  }
0x24: {  	s3 =	sadd.s32 $0x88, s3;
	s6 =	simm.s32 @!p1 $0x1082;
	[sflag:s4] =	ssyncset.s32 $0xFFFFF086  }
0x25: {  	[simem:s6], [sflag:s4] =	dma.local [hbm:s3], $0xF7A  }
0x26: {  	[smem:$0x3F9E] =	sst s1;
	(tag) =	ssettag s2;
	_ =	strace s9  }
0x27: {  	s1 =	sld [smem:$0x3FAE]  }
0x28: {  	s2 =	sld [smem:$0x3FAF]  }
0x29: {  	s4 =	sld [smem:$0x3FB1]  }
0x2a: {  	p0 =	seq.s32 s5, $0x0;
	s5 =	sld [smem:$0x3FB2]  }
0x2b: {  	s6 =	sld [smem:$0x3FB3]  }
0x2c: {  	s7 =	sld [smem:$0x3FB4]  }
0x2d: {  	s3 =	simm.s32 $0x108;
	s8 =	sld [smem:$0x3FB5]  }
0x2e: {  	s3 =	simm.s32 @!p0 $0x1082;
	s9 =	sld [smem:$0x3FB6]  }
0x2f: {  	lr =	sadd.s32 s0, s3;
	s0 =	sld [smem:$0x3FAD]  }
0x30: {  	s3 =	sld [smem:$0x3FB0]  }
0x31: {  	[smem:$0x3FB9] =	sst s10  }
0x32: {  	s10 =	sld [smem:$0x3FB7];
	_ =	sdelay $0x3  }
0x33: {  	p0 =	seq.s32 s10, $0x1;
	s10 =	sld [smem:$0x3FB9];
	_ =	sdelay $0x3  }
0x34: {  	[smem:$0x3FB9] =	sst s10  }
0x35: {  	s10 =	sld [smem:$0x3FB8];
	_ =	sdelay $0x3  }
0x36: {  	p1 =	seq.s32 s10, $0x1;
	s10 =	sld [smem:$0x3FB9];
	_ =	sdelay $0x3  }
0x37: {  	[smem:$0x3FB9] =	sst s10  }
0x38: {  	s10 =	sld [smem:$0x3FBA]  }
0x39: {  	_ = 	snop;
	(pc) =	sbr.ind lr, $3  }
0x3a: {  	_ = 	snop  }
0x3b: {  	_ = 	snop  }
0x3c: {  	p2 =	seq.s32 s10, $0x1;
	s10 =	sld [smem:$0x3FB9]  }
0x3d: {  	_ =	shalt  }
0x3e: {  	_ =	shalt  }
0x3f: {  	_ =	shalt  }
0x40: {  	_ =	shalt  }
0x41: {  	_ =	shalt  }
0x42: {  	_ =	shalt  }
0x43: {  	_ =	shalt  }
0x44: {  	_ =	shalt  }
0x45: {  	_ =	shalt  }
0x46: {  	_ =	shalt  }
0x47: {  	_ =	shalt  }
0x48: {  	_ =	shalt  }
0x49: {  	_ =	shalt  }
0x4a: {  	_ =	shalt  }
0x4b: {  	_ =	shalt  }
0x4c: {  	_ =	shalt  }
0x4d: {  	_ =	shalt  }
0x4e: {  	_ =	shalt  }
0x4f: {  	_ =	shalt  }
0x50: {  	_ =	shalt  }
0x51: {  	_ =	shalt  }
0x52: {  	_ =	shalt  }
0x53: {  	_ =	shalt  }
0x54: {  	_ =	shalt  }
0x55: {  	_ =	shalt  }
0x56: {  	_ =	shalt  }
0x57: {  	_ =	shalt  }
0x58: {  	_ =	shalt  }
0x59: {  	_ =	shalt  }
0x5a: {  	_ =	shalt  }
0x5b: {  	_ =	shalt  }
0x5c: {  	_ =	shalt  }
0x5d: {  	_ =	shalt  }
0x5e: {  	_ =	shalt  }
0x5f: {  	_ =	shalt  }
0x60: {  	_ =	shalt  }
0x61: {  	_ =	shalt  }
0x62: {  	_ =	shalt  }
0x63: {  	_ =	shalt  }
0x64: {  	_ =	shalt  }
0x65: {  	_ =	shalt  }
0x66: {  	_ =	shalt  }
0x67: {  	_ =	shalt  }
0x68: {  	_ =	shalt  }
0x69: {  	_ =	shalt  }
0x6a: {  	_ =	shalt  }
0x6b: {  	_ =	shalt  }
0x6c: {  	_ =	shalt  }
0x6d: {  	_ =	shalt  }
0x6e: {  	_ =	shalt  }
0x6f: {  	_ =	shalt  }
0x70: {  	_ =	shalt  }
0x71: {  	_ =	shalt  }
0x72: {  	_ =	shalt  }
0x73: {  	_ =	shalt  }
0x74: {  	_ =	shalt  }
0x75: {  	_ =	shalt  }
0x76: {  	_ =	shalt  }
0x77: {  	_ =	shalt  }
0x78: {  	_ =	shalt  }
0x79: {  	_ =	shalt  }
0x7a: {  	_ =	shalt  }
0x7b: {  	_ =	shalt  }
0x7c: {  	_ =	shalt  }
0x7d: {  	_ =	shalt  }
0x7e: {  	_ =	shalt  }
0x7f: {  	_ =	shalt  }
0x80: {  	_ =	shalt  }
0x81: {  	_ =	shalt  }
0x82: {  	_ =	shalt  }
0x83: {  	_ =	shalt  }
0x84: {  	_ =	shalt  }
0x85: {  	_ =	shalt  }
0x86: {  	_ =	shalt  }
0x87: {  	_ =	shalt  }
.Lfunc_end0:
.L_simem_size_0:
called_computation.1_lowered:
.L_overlay_start_0:
0x88: {  	s2 =	sld [smem:$0x3FD9]  }
0x89: {  	s3 =	sld [smem:$0x3FFE];
	_ =	sdelay $0x1  }
0x8a: {  	s1 =	srdreg.scid  }
0x8b: {  	s0 =	sand.u32 $0x1, s1  }
0x8c: {  	s17 =	sshll.u32 s0, $0xA;
	s2 =	sadd.s32 s3, s2  }
0x8d: {  	s2 =	sadd.s32 s2, s17  }
0x8e: {  	[smem:$0x3FC5] =	sst s2  }
0x8f: {  	_ = 	snop  }
0x90: {  	s2 =	sld [smem:$0x3FC8]  }
0x91: {  	s18 =	sld [smem:$0x3FD0];
	(tm) =	ssettm $0x1  }
0x92: {  	s4 =	sld [smem:$0x3FFB];
	_ =	sdelay $0x3  }
0x93: {  	_ =	strace s4  }
0x94: {  	s4 =	sld [smem:$0x3FFC];
	_ =	sdelay $0x3  }
0x95: {  	_ =	strace s4  }
0x96: {  	s4 =	sld [smem:$0x3FFD];
	_ =	sdelay $0x3  }
0x97: {  	_ =	strace s4  }
0x98: {  	_ =	strace $0x8FFFFFFF  }
0x99: {  	s19 =	sld [smem:$0x3FDB];
	_ =	sdelay $0x1  }
0x9a: {  	s5 =	simm.s32 $_scs_section_size  }
0x9b: {  	s6 =	simm.s32 $_size__tile_overlayer_lowered;
	s7 =	simm.s32 $_tile_overlayer_lowered  }
0x9c: {  	s22 =	simm.s32 $0x1BFF;
	s21 =	sshll.u32 s7, $0x1;
	s4 =	sadd.s32 s5, s19  }
0x9d: {  	s8 =	simm.s32 $0x0;
	s20 =	sshll.u32 s6, $0x1;
	s6 =	sadd.s32 s21, s4  }
0x9e: {  	[timem:s8], [sflag:s22] =	dma.local [hbm:s6], s20  }
0x9f: {  	_ =	swait.ge [sflag:s22], s20  }
0xa0: {  	s5 =	ssub.s32 $0x0, s20;
	[sflag:s22] =	ssyncset.done $0x0  }
0xa1: {  	[sflag:s22] =	ssyncadd.s32 s5;
	_ =	sdelay $0x1  }
0xa2: {  	s23 =	simm.s32 $0x1B8B  }
0xa3: {  	_ =	swait.ge [sflag:s23], $0x1  }
0xa4: {  	[sflag:s23] =	ssyncset.done $0x0  }
0xa5: {  	s25 =	simm.s32 $0x1B8E;
	s24 =	sld [smem:$0x3FFE];
	[sflag:s23] =	ssyncadd.s32 $0xFFFFFFFF  }
0xa6: {  	s26 =	simm.s32 $execute0_lowered;
	[smem:$0x3FD2] =	sst s25  }
0xa7: {  	s6 =	sshll.u32 s26, $0x1;
	_ =	strace $0x80000049;
	[dreg:$0x1] =	wrdreg $0xFFFFFFFF  }
0xa8: {  	s28 =	simm.s32 $_size_execute0_lowered;
	s4 =	sadd.s32 s4, s6;
	[dreg:$0x0] =	wrdreg $0x0  }
0xa9: {  	s6 =	sshll.u32 s28, $0x1;
	[dreg:$0x2] =	wrdreg s4  }
0xaa: {  	[dreg:$0x3] =	wrdreg s6  }
0xab: {  	[dreg:$0x4] =	wrdreg $0xC0  }
0xac: {  	_ =	task [dreg:s8], $0x5FFFF  }
0xad: {  	[dreg:$0x1] =	wrdreg $0xFFFFFFFF  }
0xae: {  	[dreg:$0x0] =	wrdreg $0x60  }
0xaf: {  	[dreg:$0x2] =	wrdreg s2  }
0xb0: {  	[dreg:$0x3] =	wrdreg s24  }
0xb1: {  	[dreg:$0x4] =	wrdreg s18  }
0xb2: {  	[dreg:$0x5] =	wrdreg $0x9  }
0xb3: {  	_ =	task.clear_ibuf [dreg:s8], $0x6FFFF;
	_ =	strace $0x90000049  }
0xb4: {  	s29 =	simm.s32 $0x9;
	_ =	strace $0x8000004B  }
0xb5: {  	_ =	swait.ge [sflag:s29], $0x1  }
0xb6: {  	[sflag:s29] =	ssyncadd.s32 $0xFFFFFFFF  }
0xb7: {  	_ =	strace $0x9000004B  }
0xb8: {  	_ =	sfence  }
0xb9: {  	s30 =	sld [smem:$0x0];
	_ =	sdelay $0x2  }
0xba: {  	s31 =	sshll.u32 s1, $0xD;
	s1 =	sshrl.u32 s1, $0x2  }
0xbb: {  	s3 =	sand.u32 $0x4000, s31;
	s1 =	sadd.s32 s1, s30  }
0xbc: {  	s0 =	sor.u32 s3, s0;
	s1 =	sshll.u32 s1, $0x11  }
0xbd: {  	s0 =	sor.u32 s1, s0  }
0xbe: {  	s0 =	sadd.s32 $0x8F2B, s0  }
0xbf: {  	[sflag:s0] =	ssyncadd.remote.s32 $0x1  }
0xc0: {  	_ =	sfence.sel $0xFFFF  }
0xc1: {  	[dreg:$0x0] =	wrdreg $0xFFFFFFFF;
	(pc) =	sbr.abs _section_cstart, $3  }
0xc2: {  	[dreg:$0x1] =	wrdreg $0xFFFFFFFF  }
0xc3: {  	_ =	task.clear_ibuf [dreg:s8], $0x2FFFF;
	_ =	strace $0x9FFFFFFF  }
0xc4: {  	(tm) =	ssettm $0x7FFFFFFF  }
0xc5: {  	_ =	shalt  }
tec
execute0_lowered:
.L_overlay_start_1:
0x0: {  	(tag) =	ssettag $0x1  }
0x1: {  	s0 =	rddreg [dreg:$0x0]  }
0x2: {  	s1 =	rddreg [dreg:$0x1]  }
0x3: {  	s2 =	rddreg [dreg:$0x2]  }
0x4: {  	s3 =	srdreg.scid;
	s5 =	stileid.u32  }
0x5: {  	s21 =	simm.s32 $0xA00;
	s18 =	simm.s32 $0x1;
	s29 =	simm.s32 $0xEA00  }
0x6: {  	s30 =	simm.s32 $0xF200;
	s31 =	simm.s32 $0xFA00;
	s17 =	simm.s32 $0x6200  }
0x7: {  	s28 =	simm.s32 $0x6A00;
	s22 =	simm.s32 $0x7200;
	s23 =	simm.s32 $0x7A00  }
0x8: {  	s4 =	sand.u32 $0x1, s3;
	s3 =	simm.s32 $0x0;
	s5 =	sshll.u32 s5, $0x7  }
0x9: {  	s6 =	sshll.u32 s4, $0x6;
	[smem:$0x7FF] =	sst s3;
	s24 =	ssub.s32 $0x2, s4  }
0xa: {  	s4 =	sadd.s32 $0x1000, s1;
	s5 =	sor.u32 s6, s5;
	s8 =	sshrl.u32 s24, $0x1  }
0xb: {  	_ =	strace $0x8000004A;
	s7 =	sadd.s32 s5, s1;
	s6 =	ssub.s32 s24, s8  }
0xc: {  	s0 =	sadd.s32 s0, s5;
	s8 =	sadd.s32 $0x1100, s1;
	s1 =	simm.s32 $0x0  }
0xd: {  	v2 =	vlaneseq.u32;
	s24 =	simm.s32 $0x8200;
	[dreg:$0x4] =	wrdreg s0;
	s25 =	sadd.s32 $0x800, s7  }
0xe: {  	vm0 =	vmmov $0xffff;
	v1 =	vshrl.u32 v2, $0x3;
	s7 =	sadd.s32 $0x100, s2;
	s26 =	smax.u32 s6, $0x1;
	[dreg:$0x5] =	wrdreg s25  }
0xf: {  	v0 =	vand.u32 $0x7, v2;
	v2 =	vor.u32 $0x8, v2;
	v1 =	vmul.u32 $0x8, v1;
	[dreg:$0x6] =	wrdreg s26;
	s25 =	simm.s32 $0xDA00;
	s26 =	simm.s32 $0xE200  }
.LBB2_1:
0x10: {  	[dreg:$0x7] =	wrdreg s1  }
0x11: {  	s19 =	rddreg [dreg:$0x4];
	s20 =	simm.s32 $0x5  }
0x12: {  	[tilespmem:s3], [sflag:$0x5] =	stream.linear.gather [hbm4b:s19+s3], $0x200, $0x38;
	[tilespmem:$0x10A00] =	vst v63  }
0x13: {  	_ =	swait.ge [sflag:s20], $0x200  }
0x14: {  	[sflag:s20] =	ssyncset.done $0x0  }
0x15: {  	[sflag:s20] =	ssyncadd.s32 $0xFFFFFE00  }
0x16: {  	v3 =	vld [tilespmem:$0x0]  }
0x17: {  	v4 =	vld [tilespmem:$0x10]  }
0x18: {  	v5 =	vld [tilespmem:$0x20]  }
0x19: {  	v6 =	vld [tilespmem:$0x30]  }
0x1a: {  	v7 =	vld [tilespmem:$0x40]  }
0x1b: {  	v18 =	vld [tilespmem:$0x60];
	[tilespmem:$0x200] =	vst v3  }
0x1c: {  	v3 =	vld [tilespmem:$0x50];
	[tilespmem:$0x210] =	vst v4  }
0x1d: {  	v19 =	vld [tilespmem:$0x70];
	[tilespmem:$0x220] =	vst v5  }
0x1e: {  	v20 =	vld [tilespmem:$0x80];
	[tilespmem:$0x230] =	vst v6  }
0x1f: {  	v21 =	vld [tilespmem:$0x90];
	[tilespmem:$0x280] =	vst v7  }
0x20: {  	v22 =	vld [tilespmem:$0xB0];
	[tilespmem:$0x2A0] =	vst v18  }
0x21: {  	[tilespmem:$0x290] =	vst v3;
	v3 =	vld [tilespmem:$0xA0]  }
0x22: {  	v23 =	vld [tilespmem:$0xC0];
	[tilespmem:$0x2B0] =	vst v19  }
0x23: {  	v24 =	vld [tilespmem:$0xD0];
	[tilespmem:$0x300] =	vst v20  }
0x24: {  	v25 =	vld [tilespmem:$0xE0];
	[tilespmem:$0x310] =	vst v21  }
0x25: {  	v26 =	vld [tilespmem:$0x100];
	[tilespmem:$0x330] =	vst v22  }
0x26: {  	[tilespmem:$0x320] =	vst v3;
	v3 =	vld [tilespmem:$0xF0]  }
0x27: {  	v27 =	vld [tilespmem:$0x110];
	[tilespmem:$0x380] =	vst v23  }
0x28: {  	v28 =	vld [tilespmem:$0x120];
	[tilespmem:$0x390] =	vst v24  }
0x29: {  	v29 =	vld [tilespmem:$0x130];
	[tilespmem:$0x3A0] =	vst v25  }
0x2a: {  	v30 =	vld [tilespmem:$0x150];
	[tilespmem:$0x400] =	vst v26  }
0x2b: {  	[tilespmem:$0x3B0] =	vst v3;
	v3 =	vld [tilespmem:$0x140]  }
0x2c: {  	v31 =	vld [tilespmem:$0x160];
	[tilespmem:$0x410] =	vst v27  }
0x2d: {  	v32 =	vld [tilespmem:$0x170];
	[tilespmem:$0x420] =	vst v28  }
0x2e: {  	v33 =	vld [tilespmem:$0x180];
	[tilespmem:$0x430] =	vst v29  }
0x2f: {  	v34 =	vld [tilespmem:$0x1A0];
	[tilespmem:$0x490] =	vst v30  }
0x30: {  	[tilespmem:$0x480] =	vst v3;
	v3 =	vld [tilespmem:$0x190]  }
0x31: {  	v35 =	vld [tilespmem:$0x1B0];
	[tilespmem:$0x4A0] =	vst v31  }
0x32: {  	v36 =	vld [tilespmem:$0x1C0];
	[tilespmem:$0x4B0] =	vst v32  }
0x33: {  	v37 =	vld [tilespmem:$0x1D0];
	[tilespmem:$0x500] =	vst v33  }
0x34: {  	v38 =	vld [tilespmem:$0x1F0];
	[tilespmem:$0x520] =	vst v34  }
0x35: {  	[tilespmem:$0x510] =	vst v3;
	v3 =	vld [tilespmem:$0x1E0]  }
0x36: {  	[tilespmem:$0x530] =	vst v35  }
0x37: {  	[tilespmem:$0x580] =	vst v36  }
0x38: {  	[tilespmem:$0x590] =	vst v37  }
0x39: {  	[tilespmem:$0x5B0] =	vst v38  }
0x3a: {  	s16 =	rddreg [dreg:$0x5];
	[tilespmem:$0x5A0] =	vst v3  }
0x3b: {  	[tilespmem:s3], [sflag:$0x5] =	stream.linear.gather [hbm4b:s16+s3], $0x200, $0x38;
	[tilespmem:$0x10A00] =	vst v63  }
0x3c: {  	_ =	swait.ge [sflag:s20], $0x200  }
0x3d: {  	[sflag:s20] =	ssyncset.done $0x0  }
0x3e: {  	[sflag:s20] =	ssyncadd.s32 $0xFFFFFE00  }
0x3f: {  	v3 =	vld [tilespmem:$0x0]  }
0x40: {  	v39 =	vld [tilespmem:$0x10]  }
0x41: {  	v40 =	vld [tilespmem:$0x20]  }
0x42: {  	v41 =	vld [tilespmem:$0x30]  }
0x43: {  	v42 =	vld [tilespmem:$0x40]  }
0x44: {  	v43 =	vld [tilespmem:$0x60];
	[tilespmem:$0x600] =	vst v3  }
0x45: {  	v3 =	vld [tilespmem:$0x50];
	[tilespmem:$0x610] =	vst v39  }
0x46: {  	v44 =	vld [tilespmem:$0x70];
	[tilespmem:$0x620] =	vst v40  }
0x47: {  	v45 =	vld [tilespmem:$0x80];
	[tilespmem:$0x630] =	vst v41  }
0x48: {  	v46 =	vld [tilespmem:$0x90];
	[tilespmem:$0x680] =	vst v42  }
0x49: {  	v47 =	vld [tilespmem:$0xB0];
	[tilespmem:$0x6A0] =	vst v43  }
0x4a: {  	[tilespmem:$0x690] =	vst v3;
	v3 =	vld [tilespmem:$0xA0]  }
0x4b: {  	v48 =	vld [tilespmem:$0xC0];
	[tilespmem:$0x6B0] =	vst v44  }
0x4c: {  	v49 =	vld [tilespmem:$0xD0];
	[tilespmem:$0x700] =	vst v45  }
0x4d: {  	v50 =	vld [tilespmem:$0xE0];
	[tilespmem:$0x710] =	vst v46  }
0x4e: {  	v51 =	vld [tilespmem:$0x100];
	[tilespmem:$0x730] =	vst v47  }
0x4f: {  	[tilespmem:$0x720] =	vst v3;
	v3 =	vld [tilespmem:$0xF0]  }
0x50: {  	v52 =	vld [tilespmem:$0x110];
	[tilespmem:$0x780] =	vst v48  }
0x51: {  	v53 =	vld [tilespmem:$0x120];
	[tilespmem:$0x790] =	vst v49  }
0x52: {  	v54 =	vld [tilespmem:$0x130];
	[tilespmem:$0x7A0] =	vst v50  }
0x53: {  	v55 =	vld [tilespmem:$0x150];
	[tilespmem:$0x800] =	vst v51  }
0x54: {  	[tilespmem:$0x7B0] =	vst v3;
	v3 =	vld [tilespmem:$0x140]  }
0x55: {  	v56 =	vld [tilespmem:$0x160];
	[tilespmem:$0x810] =	vst v52  }
0x56: {  	v57 =	vld [tilespmem:$0x170];
	[tilespmem:$0x820] =	vst v53  }
0x57: {  	v58 =	vld [tilespmem:$0x180];
	[tilespmem:$0x830] =	vst v54  }
0x58: {  	v59 =	vld [tilespmem:$0x1A0];
	[tilespmem:$0x890] =	vst v55  }
0x59: {  	[tilespmem:$0x880] =	vst v3;
	v3 =	vld [tilespmem:$0x190]  }
0x5a: {  	v60 =	vld [tilespmem:$0x1B0];
	[tilespmem:$0x8A0] =	vst v56  }
0x5b: {  	v61 =	vld [tilespmem:$0x1C0];
	[tilespmem:$0x8B0] =	vst v57  }
0x5c: {  	v62 =	vld [tilespmem:$0x1D0];
	[tilespmem:$0x900] =	vst v58  }
0x5d: {  	v63 =	vld [tilespmem:$0x1F0];
	[tilespmem:$0x920] =	vst v59  }
0x5e: {  	[tilespmem:$0x910] =	vst v3;
	v3 =	vld [tilespmem:$0x1E0]  }
0x5f: {  	[tilespmem:$0x930] =	vst v60  }
0x60: {  	[tilespmem:$0x980] =	vst v61  }
0x61: {  	[tilespmem:$0x990] =	vst v62  }
0x62: {  	[tilespmem:$0x9B0] =	vst v63  }
0x63: {  	s0 =	simm.s32 $0x10200;
	s1 =	simm.s32 $0x2;
	s19 =	simm.s32 $0x0;
	[tilespmem:$0x9A0] =	vst v3  }
.LBB2_2:
0x64: {  	p0 =	seq.s32 s19, $0x0  }
0x65: {  	s20 =	simm.s32 @!p0 $0x3  }
0x66: {  	_ =	swait.ge @!p0 [sflag:s20], $0x8000  }
0x67: {  	[sflag:s20] =	ssyncset.done @!p0 $0x0  }
0x68: {  	[sflag:s20] =	ssyncadd.s32 @!p0 $0xFFFF8000;
	s20 =	sshra.s32 s19, $0x2  }
0x69: {  	v3 =	vld [tilespmem:s20+$0x600];
	_ =	sdelay $0x4  }
0x6a: {  	v4 =	vshll.u32 v3, $0x2  }
0x6b: {  	v3 =	vand.u32 $0x7, v3;
	v4 =	vand.u32 $0xFFFFFFE0, v4  }
0x6c: {  	v3 =	vor.u32 v3, v4  }
0x6d: {  	v4 =	vperm.xlane v3, v0;
	_ =	sdelay $0x1  }
0x6e: {  	v4 =	vadd.s32 v1, v4;
	_ =	sdelay $0x1  }
0x6f: {  	v3 =	vperm.xlane v3, v2;
	_ =	sdelay $0x1  }
0x70: {  	v3 =	vadd.s32 v1, v3  }
0x71: {  	[tilespmem:s21], [sflag:$0x1] =	stream.indirect_vreg.gather [hbm4b:s2+s3], $0x80, v4, vm0, $0xb8;
	[tilespmem:$0x10A00] =	vst v63  }
0x72: {  	s5 =	simm.s32 $0x1200  }
0x73: {  	[tilespmem:s5], [sflag:$0x1] =	stream.indirect_vreg.gather [hbm4b:s7+s3], $0x80, v4, vm0, $0xb8;
	[tilespmem:$0x10A00] =	vst v63  }
0x74: {  	s6 =	simm.s32 $0x1A00  }
0x75: {  	[tilespmem:s6], [sflag:$0x1] =	stream.indirect_vreg.gather [hbm4b:s2+s3], $0x80, v3, vm0, $0xb8;
	[tilespmem:$0x10A00] =	vst v63  }
0x76: {  	s9 =	simm.s32 $0x2200  }
0x77: {  	[tilespmem:s9], [sflag:$0x1] =	stream.indirect_vreg.gather [hbm4b:s7+s3], $0x80, v3, vm0, $0xb8;
	[tilespmem:$0x10A00] =	vst v63  }
0x78: {  	v3 =	vld [tilespmem:s20+$0x610];
	_ =	sdelay $0x4  }
0x79: {  	v49 =	vshll.u32 v3, $0x2  }
0x7a: {  	v3 =	vand.u32 $0x7, v3;
	v4 =	vand.u32 $0xFFFFFFE0, v49  }
0x7b: {  	v3 =	vor.u32 v3, v4  }
0x7c: {  	v4 =	vperm.xlane v3, v0;
	_ =	sdelay $0x1  }
0x7d: {  	v4 =	vadd.s32 v1, v4;
	_ =	sdelay $0x1  }
0x7e: {  	v3 =	vperm.xlane v3, v2;
	_ =	sdelay $0x1  }
0x7f: {  	s10 =	simm.s32 $0x2A00;
	v3 =	vadd.s32 v1, v3  }
0x80: {  	[tilespmem:s10], [sflag:$0x1] =	stream.indirect_vreg.gather [hbm4b:s2+s3], $0x80, v4, vm0, $0xb8;
	[tilespmem:$0x10A00] =	vst v63  }
0x81: {  	s11 =	simm.s32 $0x3200  }
0x82: {  	[tilespmem:s11], [sflag:$0x1] =	stream.indirect_vreg.gather [hbm4b:s7+s3], $0x80, v4, vm0, $0xb8;
	[tilespmem:$0x10A00] =	vst v63  }
0x83: {  	s12 =	simm.s32 $0x3A00  }
0x84: {  	[tilespmem:s12], [sflag:$0x1] =	stream.indirect_vreg.gather [hbm4b:s2+s3], $0x80, v3, vm0, $0xb8;
	[tilespmem:$0x10A00] =	vst v63  }
0x85: {  	s13 =	simm.s32 $0x4200  }
0x86: {  	[tilespmem:s13], [sflag:$0x1] =	stream.indirect_vreg.gather [hbm4b:s7+s3], $0x80, v3, vm0, $0xb8;
	[tilespmem:$0x10A00] =	vst v63  }
0x87: {  	v3 =	vld [tilespmem:s20+$0x620];
	_ =	sdelay $0x4  }
0x88: {  	v50 =	vshll.u32 v3, $0x2  }
0x89: {  	v3 =	vand.u32 $0x7, v3;
	v4 =	vand.u32 $0xFFFFFFE0, v50  }
0x8a: {  	v3 =	vor.u32 v3, v4  }
0x8b: {  	v4 =	vperm.xlane v3, v0;
	_ =	sdelay $0x1  }
0x8c: {  	v4 =	vadd.s32 v1, v4;
	_ =	sdelay $0x1  }
0x8d: {  	v3 =	vperm.xlane v3, v2;
	_ =	sdelay $0x1  }
0x8e: {  	s14 =	simm.s32 $0x4A00;
	v3 =	vadd.s32 v1, v3  }
0x8f: {  	[tilespmem:s14], [sflag:$0x1] =	stream.indirect_vreg.gather [hbm4b:s2+s3], $0x80, v4, vm0, $0xb8;
	[tilespmem:$0x10A00] =	vst v63  }
0x90: {  	s15 =	simm.s32 $0x5200  }
0x91: {  	[tilespmem:s15], [sflag:$0x1] =	stream.indirect_vreg.gather [hbm4b:s7+s3], $0x80, v4, vm0, $0xb8;
	[tilespmem:$0x10A00] =	vst v63  }
0x92: {  	s16 =	simm.s32 $0x5A00  }
0x93: {  	[tilespmem:s16], [sflag:$0x1] =	stream.indirect_vreg.gather [hbm4b:s2+s3], $0x80, v3, vm0, $0xb8;
	[tilespmem:$0x10A00] =	vst v63  }
0x94: {  	_ = 	snop  }
0x95: {  	[tilespmem:s17], [sflag:$0x1] =	stream.indirect_vreg.gather [hbm4b:s7+s3], $0x80, v3, vm0, $0xb8;
	[tilespmem:$0x10A00] =	vst v63  }
0x96: {  	v3 =	vld [tilespmem:s20+$0x630];
	_ =	sdelay $0x4  }
0x97: {  	v51 =	vshll.u32 v3, $0x2  }
0x98: {  	v3 =	vand.u32 $0x7, v3;
	v4 =	vand.u32 $0xFFFFFFE0, v51  }
0x99: {  	v3 =	vor.u32 v3, v4  }
0x9a: {  	v4 =	vperm.xlane v3, v0;
	_ =	sdelay $0x1  }
0x9b: {  	v4 =	vadd.s32 v1, v4;
	_ =	sdelay $0x1  }
0x9c: {  	v3 =	vperm.xlane v3, v2;
	_ =	sdelay $0x1  }
0x9d: {  	v3 =	vadd.s32 v1, v3  }
0x9e: {  	[tilespmem:s28], [sflag:$0x1] =	stream.indirect_vreg.gather [hbm4b:s2+s3], $0x80, v4, vm0, $0xb8;
	[tilespmem:$0x10A00] =	vst v63  }
0x9f: {  	_ = 	snop  }
0xa0: {  	[tilespmem:s22], [sflag:$0x1] =	stream.indirect_vreg.gather [hbm4b:s7+s3], $0x80, v4, vm0, $0xb8;
	[tilespmem:$0x10A00] =	vst v63  }
0xa1: {  	_ = 	snop  }
0xa2: {  	[tilespmem:s23], [sflag:$0x1] =	stream.indirect_vreg.gather [hbm4b:s2+s3], $0x80, v3, vm0, $0xb8;
	[tilespmem:$0x10A00] =	vst v63  }
0xa3: {  	_ = 	snop  }
0xa4: {  	[tilespmem:s24], [sflag:$0x1] =	stream.indirect_vreg.gather [hbm4b:s7+s3], $0x80, v3, vm0, $0xb8;
	[tilespmem:$0x10A00] =	vst v63  }
0xa5: {  	_ =	swait.ge [sflag:s18], $0x8000  }
0xa6: {  	[sflag:s18] =	ssyncset.done $0x0  }
0xa7: {  	[sflag:s18] =	ssyncadd.s32 $0xFFFF8000  }
0xa8: {  	v3 =	vld [tilespmem:s20+$0x200];
	_ =	sdelay $0x4  }
0xa9: {  	v52 =	vshll.u32 v3, $0x2  }
0xaa: {  	v3 =	vand.u32 $0x7, v3;
	v4 =	vand.u32 $0xFFFFFFE0, v52  }
0xab: {  	v3 =	vor.u32 v3, v4  }
0xac: {  	v4 =	vperm.xlane v3, v0;
	_ =	sdelay $0x1  }
0xad: {  	v4 =	vadd.s32 v1, v4;
	_ =	sdelay $0x1  }
0xae: {  	v3 =	vperm.xlane v3, v2;
	_ =	sdelay $0x1  }
0xaf: {  	v3 =	vadd.s32 v1, v3  }
0xb0: {  	[hbm4b:s4+s3] =	stream.indirect_vreg.scatter [tilespmem:s21], [sflag:$0x3], $0x80, v4, vm0, $0xb8;
	[tilespmem:$0x10A00] =	vst v63  }
0xb1: {  	_ = 	snop  }
0xb2: {  	[hbm4b:s8+s3] =	stream.indirect_vreg.scatter [tilespmem:s5], [sflag:$0x3], $0x80, v4, vm0, $0xb8;
	[tilespmem:$0x10A00] =	vst v63  }
0xb3: {  	_ = 	snop  }
0xb4: {  	[hbm4b:s4+s3] =	stream.indirect_vreg.scatter [tilespmem:s6], [sflag:$0x3], $0x80, v3, vm0, $0xb8;
	[tilespmem:$0x10A00] =	vst v63  }
0xb5: {  	_ = 	snop  }
0xb6: {  	[hbm4b:s8+s3] =	stream.indirect_vreg.scatter [tilespmem:s9], [sflag:$0x3], $0x80, v3, vm0, $0xb8;
	[tilespmem:$0x10A00] =	vst v63  }
0xb7: {  	v3 =	vld [tilespmem:s20+$0x210];
	_ =	sdelay $0x4  }
0xb8: {  	v53 =	vshll.u32 v3, $0x2  }
0xb9: {  	v3 =	vand.u32 $0x7, v3;
	v4 =	vand.u32 $0xFFFFFFE0, v53  }
0xba: {  	v3 =	vor.u32 v3, v4  }
0xbb: {  	v4 =	vperm.xlane v3, v0;
	_ =	sdelay $0x1  }
0xbc: {  	v4 =	vadd.s32 v1, v4;
	_ =	sdelay $0x1  }
0xbd: {  	v3 =	vperm.xlane v3, v2;
	_ =	sdelay $0x1  }
0xbe: {  	v3 =	vadd.s32 v1, v3  }
0xbf: {  	[hbm4b:s4+s3] =	stream.indirect_vreg.scatter [tilespmem:s10], [sflag:$0x3], $0x80, v4, vm0, $0xb8;
	[tilespmem:$0x10A00] =	vst v63  }
0xc0: {  	_ = 	snop  }
0xc1: {  	[hbm4b:s8+s3] =	stream.indirect_vreg.scatter [tilespmem:s11], [sflag:$0x3], $0x80, v4, vm0, $0xb8;
	[tilespmem:$0x10A00] =	vst v63  }
0xc2: {  	_ = 	snop  }
0xc3: {  	[hbm4b:s4+s3] =	stream.indirect_vreg.scatter [tilespmem:s12], [sflag:$0x3], $0x80, v3, vm0, $0xb8;
	[tilespmem:$0x10A00] =	vst v63  }
0xc4: {  	_ = 	snop  }
0xc5: {  	[hbm4b:s8+s3] =	stream.indirect_vreg.scatter [tilespmem:s13], [sflag:$0x3], $0x80, v3, vm0, $0xb8;
	[tilespmem:$0x10A00] =	vst v63  }
0xc6: {  	v3 =	vld [tilespmem:s20+$0x220];
	_ =	sdelay $0x4  }
0xc7: {  	v54 =	vshll.u32 v3, $0x2  }
0xc8: {  	v3 =	vand.u32 $0x7, v3;
	v4 =	vand.u32 $0xFFFFFFE0, v54  }
0xc9: {  	v3 =	vor.u32 v3, v4  }
0xca: {  	v4 =	vperm.xlane v3, v0;
	_ =	sdelay $0x1  }
0xcb: {  	v4 =	vadd.s32 v1, v4;
	_ =	sdelay $0x1  }
0xcc: {  	v3 =	vperm.xlane v3, v2;
	_ =	sdelay $0x1  }
0xcd: {  	v3 =	vadd.s32 v1, v3  }
0xce: {  	[hbm4b:s4+s3] =	stream.indirect_vreg.scatter [tilespmem:s14], [sflag:$0x3], $0x80, v4, vm0, $0xb8;
	[tilespmem:$0x10A00] =	vst v63  }
0xcf: {  	_ = 	snop  }
0xd0: {  	[hbm4b:s8+s3] =	stream.indirect_vreg.scatter [tilespmem:s15], [sflag:$0x3], $0x80, v4, vm0, $0xb8;
	[tilespmem:$0x10A00] =	vst v63  }
0xd1: {  	_ = 	snop  }
0xd2: {  	[hbm4b:s4+s3] =	stream.indirect_vreg.scatter [tilespmem:s16], [sflag:$0x3], $0x80, v3, vm0, $0xb8;
	[tilespmem:$0x10A00] =	vst v63  }
0xd3: {  	_ = 	snop  }
0xd4: {  	[hbm4b:s8+s3] =	stream.indirect_vreg.scatter [tilespmem:s17], [sflag:$0x3], $0x80, v3, vm0, $0xb8;
	[tilespmem:$0x10A00] =	vst v63  }
0xd5: {  	v3 =	vld [tilespmem:s20+$0x230];
	_ =	sdelay $0x4  }
0xd6: {  	v55 =	vshll.u32 v3, $0x2  }
0xd7: {  	v3 =	vand.u32 $0x7, v3;
	v4 =	vand.u32 $0xFFFFFFE0, v55  }
0xd8: {  	v3 =	vor.u32 v3, v4  }
0xd9: {  	v4 =	vperm.xlane v3, v0;
	_ =	sdelay $0x1  }
0xda: {  	v4 =	vadd.s32 v1, v4;
	_ =	sdelay $0x1  }
0xdb: {  	v3 =	vperm.xlane v3, v2;
	_ =	sdelay $0x1  }
0xdc: {  	v3 =	vadd.s32 v1, v3  }
0xdd: {  	[hbm4b:s4+s3] =	stream.indirect_vreg.scatter [tilespmem:s28], [sflag:$0x3], $0x80, v4, vm0, $0xb8;
	[tilespmem:$0x10A00] =	vst v63  }
0xde: {  	_ = 	snop  }
0xdf: {  	[hbm4b:s8+s3] =	stream.indirect_vreg.scatter [tilespmem:s22], [sflag:$0x3], $0x80, v4, vm0, $0xb8;
	[tilespmem:$0x10A00] =	vst v63  }
0xe0: {  	_ = 	snop  }
0xe1: {  	[hbm4b:s4+s3] =	stream.indirect_vreg.scatter [tilespmem:s23], [sflag:$0x3], $0x80, v3, vm0, $0xb8;
	[tilespmem:$0x10A00] =	vst v63  }
0xe2: {  	s21 =	simm.s32 @!p0 $0x4  }
0xe3: {  	[hbm4b:s8+s3] =	stream.indirect_vreg.scatter [tilespmem:s24], [sflag:$0x3], $0x80, v3, vm0, $0xb8;
	[tilespmem:$0x10A00] =	vst v63  }
0xe4: {  	_ =	swait.ge @!p0 [sflag:s21], $0x8000  }
0xe5: {  	[sflag:s21] =	ssyncset.done @!p0 $0x0  }
0xe6: {  	[sflag:s21] =	ssyncadd.s32 @!p0 $0xFFFF8000  }
0xe7: {  	v3 =	vld [tilespmem:s20+$0x680];
	_ =	sdelay $0x4  }
0xe8: {  	v56 =	vshll.u32 v3, $0x2  }
0xe9: {  	v3 =	vand.u32 $0x7, v3;
	v4 =	vand.u32 $0xFFFFFFE0, v56  }
0xea: {  	v3 =	vor.u32 v3, v4  }
0xeb: {  	v4 =	vperm.xlane v3, v0;
	_ =	sdelay $0x1  }
0xec: {  	v4 =	vadd.s32 v1, v4;
	_ =	sdelay $0x1  }
0xed: {  	v3 =	vperm.xlane v3, v2;
	_ =	sdelay $0x1  }
0xee: {  	s5 =	simm.s32 $0x8A00;
	v3 =	vadd.s32 v1, v3  }
0xef: {  	[tilespmem:s5], [sflag:$0x2] =	stream.indirect_vreg.gather [hbm4b:s2+s3], $0x80, v4, vm0, $0xb8;
	[tilespmem:$0x10A00] =	vst v63  }
0xf0: {  	s6 =	simm.s32 $0x9200  }
0xf1: {  	[tilespmem:s6], [sflag:$0x2] =	stream.indirect_vreg.gather [hbm4b:s7+s3], $0x80, v4, vm0, $0xb8;
	[tilespmem:$0x10A00] =	vst v63  }
0xf2: {  	s9 =	simm.s32 $0x9A00  }
0xf3: {  	[tilespmem:s9], [sflag:$0x2] =	stream.indirect_vreg.gather [hbm4b:s2+s3], $0x80, v3, vm0, $0xb8;
	[tilespmem:$0x10A00] =	vst v63  }
0xf4: {  	s10 =	simm.s32 $0xA200  }
0xf5: {  	[tilespmem:s10], [sflag:$0x2] =	stream.indirect_vreg.gather [hbm4b:s7+s3], $0x80, v3, vm0, $0xb8;
	[tilespmem:$0x10A00] =	vst v63  }
0xf6: {  	v3 =	vld [tilespmem:s20+$0x690];
	_ =	sdelay $0x4  }
0xf7: {  	v57 =	vshll.u32 v3, $0x2  }
0xf8: {  	v3 =	vand.u32 $0x7, v3;
	v4 =	vand.u32 $0xFFFFFFE0, v57  }
0xf9: {  	v3 =	vor.u32 v3, v4  }
0xfa: {  	v4 =	vperm.xlane v3, v0;
	_ =	sdelay $0x1  }
0xfb: {  	v4 =	vadd.s32 v1, v4;
	_ =	sdelay $0x1  }
0xfc: {  	v3 =	vperm.xlane v3, v2;
	_ =	sdelay $0x1  }
0xfd: {  	s11 =	simm.s32 $0xAA00;
	v3 =	vadd.s32 v1, v3  }
0xfe: {  	[tilespmem:s11], [sflag:$0x2] =	stream.indirect_vreg.gather [hbm4b:s2+s3], $0x80, v4, vm0, $0xb8;
	[tilespmem:$0x10A00] =	vst v63  }
0xff: {  	s12 =	simm.s32 $0xB200  }
0x100: {  	[tilespmem:s12], [sflag:$0x2] =	stream.indirect_vreg.gather [hbm4b:s7+s3], $0x80, v4, vm0, $0xb8;
	[tilespmem:$0x10A00] =	vst v63  }
0x101: {  	s13 =	simm.s32 $0xBA00  }
0x102: {  	[tilespmem:s13], [sflag:$0x2] =	stream.indirect_vreg.gather [hbm4b:s2+s3], $0x80, v3, vm0, $0xb8;
	[tilespmem:$0x10A00] =	vst v63  }
0x103: {  	s14 =	simm.s32 $0xC200  }
0x104: {  	[tilespmem:s14], [sflag:$0x2] =	stream.indirect_vreg.gather [hbm4b:s7+s3], $0x80, v3, vm0, $0xb8;
	[tilespmem:$0x10A00] =	vst v63  }
0x105: {  	v3 =	vld [tilespmem:s20+$0x6A0];
	_ =	sdelay $0x4  }
0x106: {  	v58 =	vshll.u32 v3, $0x2  }
0x107: {  	v3 =	vand.u32 $0x7, v3;
	v4 =	vand.u32 $0xFFFFFFE0, v58  }
0x108: {  	v3 =	vor.u32 v3, v4  }
0x109: {  	v4 =	vperm.xlane v3, v0;
	_ =	sdelay $0x1  }
0x10a: {  	v4 =	vadd.s32 v1, v4;
	_ =	sdelay $0x1  }
0x10b: {  	v3 =	vperm.xlane v3, v2;
	_ =	sdelay $0x1  }
0x10c: {  	s15 =	simm.s32 $0xCA00;
	v3 =	vadd.s32 v1, v3  }
0x10d: {  	[tilespmem:s15], [sflag:$0x2] =	stream.indirect_vreg.gather [hbm4b:s2+s3], $0x80, v4, vm0, $0xb8;
	[tilespmem:$0x10A00] =	vst v63  }
0x10e: {  	s16 =	simm.s32 $0xD200  }
0x10f: {  	[tilespmem:s16], [sflag:$0x2] =	stream.indirect_vreg.gather [hbm4b:s7+s3], $0x80, v4, vm0, $0xb8;
	[tilespmem:$0x10A00] =	vst v63  }
0x110: {  	_ = 	snop  }
0x111: {  	[tilespmem:s25], [sflag:$0x2] =	stream.indirect_vreg.gather [hbm4b:s2+s3], $0x80, v3, vm0, $0xb8;
	[tilespmem:$0x10A00] =	vst v63  }
0x112: {  	_ = 	snop  }
0x113: {  	[tilespmem:s26], [sflag:$0x2] =	stream.indirect_vreg.gather [hbm4b:s7+s3], $0x80, v3, vm0, $0xb8;
	[tilespmem:$0x10A00] =	vst v63  }
0x114: {  	v3 =	vld [tilespmem:s20+$0x6B0];
	_ =	sdelay $0x4  }
0x115: {  	v59 =	vshll.u32 v3, $0x2  }
0x116: {  	v3 =	vand.u32 $0x7, v3;
	v4 =	vand.u32 $0xFFFFFFE0, v59  }
0x117: {  	v3 =	vor.u32 v3, v4  }
0x118: {  	v4 =	vperm.xlane v3, v0;
	_ =	sdelay $0x1  }
0x119: {  	v4 =	vadd.s32 v1, v4;
	_ =	sdelay $0x1  }
0x11a: {  	v3 =	vperm.xlane v3, v2;
	_ =	sdelay $0x1  }
0x11b: {  	v3 =	vadd.s32 v1, v3  }
0x11c: {  	[tilespmem:s29], [sflag:$0x2] =	stream.indirect_vreg.gather [hbm4b:s2+s3], $0x80, v4, vm0, $0xb8;
	[tilespmem:$0x10A00] =	vst v63  }
0x11d: {  	_ = 	snop  }
0x11e: {  	[tilespmem:s30], [sflag:$0x2] =	stream.indirect_vreg.gather [hbm4b:s7+s3], $0x80, v4, vm0, $0xb8;
	[tilespmem:$0x10A00] =	vst v63  }
0x11f: {  	_ = 	snop  }
0x120: {  	[tilespmem:s31], [sflag:$0x2] =	stream.indirect_vreg.gather [hbm4b:s2+s3], $0x80, v3, vm0, $0xb8;
	[tilespmem:$0x10A00] =	vst v63  }
0x121: {  	_ = 	snop  }
0x122: {  	[tilespmem:s0], [sflag:$0x2] =	stream.indirect_vreg.gather [hbm4b:s7+s3], $0x80, v3, vm0, $0xb8;
	[tilespmem:$0x10A00] =	vst v63  }
0x123: {  	_ =	swait.ge [sflag:s1], $0x8000  }
0x124: {  	[sflag:s1] =	ssyncset.done $0x0  }
0x125: {  	[sflag:s1] =	ssyncadd.s32 $0xFFFF8000  }
0x126: {  	v3 =	vld [tilespmem:s20+$0x280];
	_ =	sdelay $0x4  }
0x127: {  	v60 =	vshll.u32 v3, $0x2  }
0x128: {  	v3 =	vand.u32 $0x7, v3;
	v4 =	vand.u32 $0xFFFFFFE0, v60  }
0x129: {  	v3 =	vor.u32 v3, v4  }
0x12a: {  	v4 =	vperm.xlane v3, v0;
	_ =	sdelay $0x1  }
0x12b: {  	v4 =	vadd.s32 v1, v4;
	_ =	sdelay $0x1  }
0x12c: {  	v3 =	vperm.xlane v3, v2;
	_ =	sdelay $0x1  }
0x12d: {  	v3 =	vadd.s32 v1, v3  }
0x12e: {  	[hbm4b:s4+s3] =	stream.indirect_vreg.scatter [tilespmem:s5], [sflag:$0x4], $0x80, v4, vm0, $0xb8;
	[tilespmem:$0x10A00] =	vst v63  }
0x12f: {  	_ = 	snop  }
0x130: {  	[hbm4b:s8+s3] =	stream.indirect_vreg.scatter [tilespmem:s6], [sflag:$0x4], $0x80, v4, vm0, $0xb8;
	[tilespmem:$0x10A00] =	vst v63  }
0x131: {  	_ = 	snop  }
0x132: {  	[hbm4b:s4+s3] =	stream.indirect_vreg.scatter [tilespmem:s9], [sflag:$0x4], $0x80, v3, vm0, $0xb8;
	[tilespmem:$0x10A00] =	vst v63  }
0x133: {  	_ = 	snop  }
0x134: {  	[hbm4b:s8+s3] =	stream.indirect_vreg.scatter [tilespmem:s10], [sflag:$0x4], $0x80, v3, vm0, $0xb8;
	[tilespmem:$0x10A00] =	vst v63  }
0x135: {  	v3 =	vld [tilespmem:s20+$0x290];
	_ =	sdelay $0x4  }
0x136: {  	v61 =	vshll.u32 v3, $0x2  }
0x137: {  	v3 =	vand.u32 $0x7, v3;
	v4 =	vand.u32 $0xFFFFFFE0, v61  }
0x138: {  	v3 =	vor.u32 v3, v4  }
0x139: {  	v4 =	vperm.xlane v3, v0;
	_ =	sdelay $0x1  }
0x13a: {  	v4 =	vadd.s32 v1, v4;
	_ =	sdelay $0x1  }
0x13b: {  	v3 =	vperm.xlane v3, v2;
	_ =	sdelay $0x1  }
0x13c: {  	v3 =	vadd.s32 v1, v3  }
0x13d: {  	[hbm4b:s4+s3] =	stream.indirect_vreg.scatter [tilespmem:s11], [sflag:$0x4], $0x80, v4, vm0, $0xb8;
	[tilespmem:$0x10A00] =	vst v63  }
0x13e: {  	_ = 	snop  }
0x13f: {  	[hbm4b:s8+s3] =	stream.indirect_vreg.scatter [tilespmem:s12], [sflag:$0x4], $0x80, v4, vm0, $0xb8;
	[tilespmem:$0x10A00] =	vst v63  }
0x140: {  	_ = 	snop  }
0x141: {  	[hbm4b:s4+s3] =	stream.indirect_vreg.scatter [tilespmem:s13], [sflag:$0x4], $0x80, v3, vm0, $0xb8;
	[tilespmem:$0x10A00] =	vst v63  }
0x142: {  	_ = 	snop  }
0x143: {  	[hbm4b:s8+s3] =	stream.indirect_vreg.scatter [tilespmem:s14], [sflag:$0x4], $0x80, v3, vm0, $0xb8;
	[tilespmem:$0x10A00] =	vst v63  }
0x144: {  	v3 =	vld [tilespmem:s20+$0x2A0];
	_ =	sdelay $0x4  }
0x145: {  	v62 =	vshll.u32 v3, $0x2  }
0x146: {  	v3 =	vand.u32 $0x7, v3;
	v4 =	vand.u32 $0xFFFFFFE0, v62  }
0x147: {  	v3 =	vor.u32 v3, v4  }
0x148: {  	v4 =	vperm.xlane v3, v0;
	_ =	sdelay $0x1  }
0x149: {  	v4 =	vadd.s32 v1, v4;
	_ =	sdelay $0x1  }
0x14a: {  	v3 =	vperm.xlane v3, v2;
	_ =	sdelay $0x1  }
0x14b: {  	v3 =	vadd.s32 v1, v3  }
0x14c: {  	[hbm4b:s4+s3] =	stream.indirect_vreg.scatter [tilespmem:s15], [sflag:$0x4], $0x80, v4, vm0, $0xb8;
	[tilespmem:$0x10A00] =	vst v63  }
0x14d: {  	_ = 	snop  }
0x14e: {  	[hbm4b:s8+s3] =	stream.indirect_vreg.scatter [tilespmem:s16], [sflag:$0x4], $0x80, v4, vm0, $0xb8;
	[tilespmem:$0x10A00] =	vst v63  }
0x14f: {  	_ = 	snop  }
0x150: {  	[hbm4b:s4+s3] =	stream.indirect_vreg.scatter [tilespmem:s25], [sflag:$0x4], $0x80, v3, vm0, $0xb8;
	[tilespmem:$0x10A00] =	vst v63  }
0x151: {  	_ = 	snop  }
0x152: {  	[hbm4b:s8+s3] =	stream.indirect_vreg.scatter [tilespmem:s26], [sflag:$0x4], $0x80, v3, vm0, $0xb8;
	[tilespmem:$0x10A00] =	vst v63  }
0x153: {  	v3 =	vld [tilespmem:s20+$0x2B0];
	_ =	sdelay $0x4  }
0x154: {  	v63 =	vshll.u32 v3, $0x2  }
0x155: {  	v3 =	vand.u32 $0x7, v3;
	v4 =	vand.u32 $0xFFFFFFE0, v63  }
0x156: {  	v3 =	vor.u32 v3, v4  }
0x157: {  	v4 =	vperm.xlane v3, v0;
	_ =	sdelay $0x1  }
0x158: {  	v4 =	vadd.s32 v1, v4;
	_ =	sdelay $0x2  }
0x159: {  	v3 =	vperm.xlane v3, v2  }
0x15a: {  	s19 =	sadd.s32 $0x400, s19  }
0x15b: {  	v3 =	vadd.s32 v1, v3;
	[hbm4b:s4+s3] =	stream.indirect_vreg.scatter [tilespmem:s29], [sflag:$0x4], $0x80, v4, vm0, $0xb8;
	[tilespmem:$0x10A00] =	vst v63  }
0x15c: {  	p0 =	sne.s32 s19, $0x1000  }
0x15d: {  	[hbm4b:s8+s3] =	stream.indirect_vreg.scatter [tilespmem:s30], [sflag:$0x4], $0x80, v4, vm0, $0xb8;
	[tilespmem:$0x10A00] =	vst v63  }
.Ltmp0:
0x15e: {  	_ = 	snop;
	(pc) =	sbr.rel @p0 .LBB2_2-.Ltmp0, $4  }
0x15f: {  	_ = 	snop  }
0x160: {  	[hbm4b:s4+s3] =	stream.indirect_vreg.scatter [tilespmem:s31], [sflag:$0x4], $0x80, v3, vm0, $0xb8;
	[tilespmem:$0x10A00] =	vst v63  }
0x161: {  	s21 =	simm.s32 $0xA00  }
0x162: {  	[hbm4b:s8+s3] =	stream.indirect_vreg.scatter [tilespmem:s0], [sflag:$0x4], $0x80, v3, vm0, $0xb8;
	[tilespmem:$0x10A00] =	vst v63  }
0x163: {  	s0 =	simm.s32 $0x3  }
0x164: {  	_ =	swait.ge [sflag:s0], $0x8000  }
0x165: {  	[sflag:s0] =	ssyncset.done $0x0  }
0x166: {  	s20 =	simm.s32 $0x4;
	[sflag:s0] =	ssyncadd.s32 $0xFFFF8000  }
0x167: {  	_ =	swait.ge [sflag:s20], $0x8000  }
0x168: {  	s1 =	rddreg [dreg:$0x7]  }
0x169: {  	s19 =	rddreg [dreg:$0x6];
	s1 =	sadd.s32 $0x1, s1  }
0x16a: {  	p0 =	sne.s32 s1, s19  }
.Ltmp1:
0x16b: {  	_ = 	snop;
	(pc) =	sbr.rel @p0 .LBB2_1-.Ltmp1, $3  }
0x16c: {  	_ =	sdelay $0x1  }
0x16d: {  	[sflag:s20] =	ssyncset.done $0x0  }
0x16e: {  	[sflag:s20] =	ssyncadd.s32 $0xFFFF8000  }
0x16f: {  	_ =	sfence.sel $0x180000  }
0x170: {  	[bflag:$0x0] =	sbarrier.arrive $0xFFFF  }
0x171: {  	_ =	strace $0x9000004A  }
0x172: {  	s0 =	stileid.u32;
	[bflag:$0x2] =	sbarrier.arrive $0xFFFF  }
0x173: {  	p0 =	sne.s32 s0, $0x0;
	s0 =	rddreg [dreg:$0x3]  }
0x174: {  	s0 =	sadd.s32 @!p0 $0x100000, s0  }
0x175: {  	[sflag:s0] =	ssyncadd.tile.s32 @!p0 $0x1;
	_ =	shalt  }
.Lfunc_end2:
_tile_overlayer_lowered:
.L_overlay_start_2:
0x176: {  	(tag) =	ssettag $0x2  }
0x177: {  	s0 =	rddreg [dreg:$0x0];
	s2 =	stileid.u32  }
0x178: {  	s1 =	rddreg [dreg:$0x1];
	p0 =	sne.s32 s2, $0x0  }
0x179: {  	s3 =	rddreg [dreg:$0x2];
	[bflag:$0x3] =	sbarrier.arrive $0xFFFF;
	s2 =	simm.s32 @!p0 $0x1C05  }
0x17a: {  	[timem:s3], [sflag:s2] =	dma.local @!p0 [hbm:s0], s1  }
0x17b: {  	s0 =	simm.s32 @!p0 $0x5  }
0x17c: {  	_ =	swait.ge @!p0 [sflag:s0], s1  }
0x17d: {  	s1 =	ssub.s32 @!p0 $0x0, s1;
	[sflag:s0] =	ssyncset.done @!p0 $0x0  }
0x17e: {  	[sflag:s0] =	ssyncadd.s32 @!p0 s1  }
0x17f: {  	[bflag:$0x3] =	sbarrier.arrive $0xFFFF  }
0x180: {  	_ =	shalt  }

</sc_bundles>
